<compile_context>
chip_gen: v7x
topology: tpu7x:2x2x1
jax: 0.10.2.dev20260603
libtpu: 0.0.44.dev20260713+nightly
codegen_flags: <defaults>
</compile_context>

<pallas_src>
import functools

import jax
import jax.numpy as jnp
from jax import lax
from jax.experimental import pallas as pl
from jax.experimental.pallas import tpu as pltpu
from jax.experimental.pallas import tpu_sc as plsc

_ROW = 2048


_BLOCK_ROWS = 1024


def _tc_softmax_block(f_ref, od_ref, out_ref):
    f = f_ref[...]
    od = od_ref[...]
    mask = jnp.logical_and(od != 0, f != 0.0)
    neg_inf = jnp.float32(-jnp.inf)
    v = jnp.where(mask, f, neg_inf)
    mx = jnp.max(v, axis=-1, keepdims=True)
    mx = jnp.where(jnp.isfinite(mx), mx, jnp.zeros_like(mx))
    e = jnp.where(mask, jnp.exp(f - mx), 0.0)
    s = jnp.sum(e, axis=-1, keepdims=True)
    s = jnp.where(s == 0.0, jnp.ones_like(s), s)
    out_ref[...] = e / s


def _tc_softmax(f2, od2):
    rows = f2.shape[0]
    return pl.pallas_call(
        _tc_softmax_block,
        grid=(rows // _BLOCK_ROWS,),
        in_specs=[
            pl.BlockSpec((_BLOCK_ROWS, _ROW), lambda i: (i, 0)),
            pl.BlockSpec((_BLOCK_ROWS, _ROW), lambda i: (i, 0)),
        ],
        out_specs=pl.BlockSpec((_BLOCK_ROWS, _ROW), lambda i: (i, 0)),
        out_shape=jax.ShapeDtypeStruct((rows, _ROW), f2.dtype),
        compiler_params=pltpu.CompilerParams(
            dimension_semantics=("arbitrary",),
        ),
    )(f2, od2)



_NC, _NS, _L = 2, 16, 16
_NW = _NC * _NS
_CHUNK = 16
_NV = _ROW // _L


def _sc_body(
    f_hbm,
    od_hbm,
    out_hbm,
    f_v0,
    od_v0,
    f_v1,
    od_v1,
    lf0,
    lo0,
    lf1,
    lo1,
    ss0,
    ss1,
):
    rows = f_hbm.shape[0]
    rpw = rows // _NW
    nchunk = rpw // _CHUNK
    wid = lax.axis_index("s") * _NC + lax.axis_index("c")
    base = wid * rpw
    neg_inf = jnp.float32(-jnp.inf)

    def start_load(c, f_v, od_v, lf, lo):
        row0 = base + c * _CHUNK
        pltpu.async_copy(f_hbm.at[pl.ds(row0, _CHUNK)], f_v, lf)
        pltpu.async_copy(od_hbm.at[pl.ds(row0, _CHUNK)], od_v, lo)

    def wait_load(c, f_v, od_v, lf, lo):
        row0 = base + c * _CHUNK
        pltpu.make_async_copy(f_hbm.at[pl.ds(row0, _CHUNK)], f_v, lf).wait()
        pltpu.make_async_copy(od_hbm.at[pl.ds(row0, _CHUNK)], od_v, lo).wait()

    def start_store(c, f_v, ss):
        row0 = base + c * _CHUNK
        pltpu.async_copy(f_v, out_hbm.at[pl.ds(row0, _CHUNK)], ss)

    def wait_store(c, f_v, ss):
        row0 = base + c * _CHUNK
        pltpu.make_async_copy(f_v, out_hbm.at[pl.ds(row0, _CHUNK)], ss).wait()

    def compute_chunk(f_v, od_v):
        def row_body(r, carry2):
            def p1(i, mx):
                f = f_v[r, pl.ds(i * _L, _L)]
                od = od_v[r, pl.ds(i * _L, _L)]
                m = jnp.logical_and(od != 0, f != 0.0)
                v = jnp.where(m, f, neg_inf)
                f_v[r, pl.ds(i * _L, _L)] = v
                return jnp.maximum(mx, v)

            mxv = lax.fori_loop(
                0, _NV, p1, jnp.full((_L,), neg_inf, jnp.float32), unroll=8
            )
            mx = mxv[0]
            for j in range(1, _L):
                mx = jnp.maximum(mx, mxv[j])
            mx = jnp.where(mx == neg_inf, jnp.float32(0.0), mx)

            def p2(i, s):
                v = f_v[r, pl.ds(i * _L, _L)]
                e = jnp.exp(v - mx)
                f_v[r, pl.ds(i * _L, _L)] = e
                return s + e

            sv = lax.fori_loop(
                0, _NV, p2, jnp.zeros((_L,), jnp.float32), unroll=8
            )
            s = sv[0]
            for j in range(1, _L):
                s = s + sv[j]
            s = jnp.where(s == 0.0, jnp.float32(1.0), s)
            rcp = jnp.ones((_L,), jnp.float32) / jnp.broadcast_to(s, (_L,))

            def p3(i, carry3):
                f_v[r, pl.ds(i * _L, _L)] = f_v[r, pl.ds(i * _L, _L)] * rcp
                return carry3

            lax.fori_loop(0, _NV, p3, 0, unroll=8)
            return carry2

        lax.fori_loop(0, _CHUNK, row_body, 0)

    start_load(0, f_v0, od_v0, lf0, lo0)

    def pair_body(p, carry):
        c0 = 2 * p
        c1 = c0 + 1

        @pl.when(p > 0)
        def _():
            wait_store(c0 - 1, f_v1, ss1)

        start_load(c1, f_v1, od_v1, lf1, lo1)
        wait_load(c0, f_v0, od_v0, lf0, lo0)
        compute_chunk(f_v0, od_v0)
        start_store(c0, f_v0, ss0)

        @pl.when(c1 + 1 < nchunk)
        def _():
            wait_store(c0, f_v0, ss0)
            start_load(c1 + 1, f_v0, od_v0, lf0, lo0)

        wait_load(c1, f_v1, od_v1, lf1, lo1)
        compute_chunk(f_v1, od_v1)
        start_store(c1, f_v1, ss1)
        return carry

    lax.fori_loop(0, nchunk // 2, pair_body, 0)
    wait_store(nchunk - 2, f_v0, ss0)
    wait_store(nchunk - 1, f_v1, ss1)


def _sc_softmax(f2, od2):
    rows = f2.shape[0]
    mesh = plsc.VectorSubcoreMesh(core_axis_name="c", subcore_axis_name="s")
    k = functools.partial(
        pl.kernel,
        mesh=mesh,
        out_type=jax.ShapeDtypeStruct((rows, _ROW), jnp.float32),
        scratch_types=[
            pltpu.VMEM((_CHUNK, _ROW), jnp.float32),
            pltpu.VMEM((_CHUNK, _ROW), jnp.int32),
            pltpu.VMEM((_CHUNK, _ROW), jnp.float32),
            pltpu.VMEM((_CHUNK, _ROW), jnp.int32),
            pltpu.SemaphoreType.DMA,
            pltpu.SemaphoreType.DMA,
            pltpu.SemaphoreType.DMA,
            pltpu.SemaphoreType.DMA,
            pltpu.SemaphoreType.DMA,
            pltpu.SemaphoreType.DMA,
        ],
    )(_sc_body)
    return k(f2, od2)


def kernel(features, OD):
    shape = features.shape
    rows = 1
    for d in shape[:-1]:
        rows *= d
    f2 = features.reshape(rows, shape[-1])
    od2 = OD.reshape(rows, shape[-1])
    return _sc_softmax(f2, od2).reshape(shape)


def _hybrid(features, OD, rows_sc=4096):
    shape = features.shape
    rows = 1
    for d in shape[:-1]:
        rows *= d
    f2 = features.reshape(rows, shape[-1])
    od2 = OD.reshape(rows, shape[-1])
    split = rows - rows_sc
    tc_out = _tc_softmax(f2[:split], od2[:split])
    sc_out = _sc_softmax(f2[split:], od2[split:])
    return jnp.concatenate([tc_out, sc_out], axis=0).reshape(shape)

# --- scband reference (transcript-rebuilt; emitter-appended) ---
"""Pipeline reference for scband-sparse-softmax-65944927863275 (READ-ONLY COPY).

The authoritative reference and input builder live on the scoring server;
editing this copy changes nothing except your own understanding.
"""

import jax, jax.numpy as jnp
import numpy as np


def setup_inputs(seed: int = 0) -> dict:
    key = jax.random.key(seed)
    k1, k2 = jax.random.split(key)
    features = jax.random.normal(k1, (1, 12, 2048, 2048), dtype=jnp.float32)
    OD = jax.random.randint(k2, (1, 12, 2048, 2048), 0, 2, dtype=jnp.int32)
    return {"features": features, "OD": OD}


def reference(features, OD):
    # OD = cast(cast(OD, bool), float32); features_ = features * OD
    m = OD != 0
    x = features * m.astype(features.dtype)
    # tf.sparse.from_dense drops exact zeros: only nonzero masked entries
    # participate in the softmax along the last axis.
    m2 = jnp.logical_and(m, x != 0)
    neg_inf = jnp.array(-jnp.inf, dtype=x.dtype)
    mx = jnp.max(jnp.where(m2, x, neg_inf), axis=-1, keepdims=True)
    # rows with no participating entries: make max finite to avoid NaNs
    mx = jnp.where(jnp.isfinite(mx), mx, jnp.zeros_like(mx))
    # double-where for numerical safety
    e = jnp.where(m2, jnp.exp(jnp.where(m2, x - mx, 0.0)), 0.0)
    s = jnp.sum(e, axis=-1, keepdims=True)
    s = jnp.where(s == 0, jnp.ones_like(s), s)
    # tf.sparse.to_dense fills non-participating entries with 0
    out = e / s
    return out

if __name__ == "__main__":
    import jax
    _d = setup_inputs()
    print(jax.jit(kernel)(*tuple(_d.values())))

</pallas_src>

<mosaic_0001>
#map = affine_map<(d0, d1) -> (0, 0)>
module attributes {stable_mosaic.version = 14 : i64} {
  func.func @_sc_body(%arg0: i32, %arg1: i32, %arg2: memref<24576x2048xf32, #tpu.memory_space<hbm>>, %arg3: memref<24576x2048xi32, #tpu.memory_space<hbm>>, %arg4: memref<24576x2048xf32, #tpu.memory_space<hbm>>, %arg5: memref<16x2048xf32, #tpu.memory_space<vmem>>, %arg6: memref<16x2048xi32, #tpu.memory_space<vmem>>, %arg7: memref<16x2048xf32, #tpu.memory_space<vmem>>, %arg8: memref<16x2048xi32, #tpu.memory_space<vmem>>, %arg9: memref<!tpu.dma_semaphore, #tpu.memory_space<semaphore_mem>>, %arg10: memref<!tpu.dma_semaphore, #tpu.memory_space<semaphore_mem>>, %arg11: memref<!tpu.dma_semaphore, #tpu.memory_space<semaphore_mem>>, %arg12: memref<!tpu.dma_semaphore, #tpu.memory_space<semaphore_mem>>, %arg13: memref<!tpu.dma_semaphore, #tpu.memory_space<semaphore_mem>>, %arg14: memref<!tpu.dma_semaphore, #tpu.memory_space<semaphore_mem>>) attributes {dimension_semantics = [#tpu.dimension_semantics<core_parallel>, #tpu.dimension_semantics<subcore_parallel>], iteration_bounds = array<i64: 2, 16>, scalar_prefetch = 0 : i64, scratch_operands = 10 : i64, tpu.core_type = #tpu.core_type<sc_vector_subcore>, window_params = [{transform_indices = #map}, {transform_indices = #map}, {transform_indices = #map}]} {
    %mul3A = arith.constant 2 : i32
    %mul3A_0 = arith.muli %arg1, %mul3A : i32
    %add3A = arith.addi %mul3A_0, %arg0 : i32
    %mul3A_1 = arith.constant 768 : i32
    %mul3A_2 = arith.muli %add3A, %mul3A_1 : i32
    %add3A_3 = arith.constant 0 : i32
    %add3A_4 = arith.addi %mul3A_2, %add3A_3 : i32
    %dma_start3A = arith.constant 0 : i32
    %dma_start3A_5 = tpu.memref_slice %arg2[%add3A_4, %dma_start3A] : memref<24576x2048xf32, #tpu.memory_space<hbm>> -> memref<16x2048xf32, #tpu.memory_space<hbm>>
    %dma_start3A_6 = arith.constant 0 : i32
    %dma_start3A_7 = tpu.memref_slice %arg2[%add3A_4, %dma_start3A_6] : memref<24576x2048xf32, #tpu.memory_space<hbm>> -> memref<16x2048xf32, #tpu.memory_space<hbm>>
    tpu.enqueue_dma source(%dma_start3A_7 : memref<16x2048xf32, #tpu.memory_space<hbm>>) target(%arg5 : memref<16x2048xf32, #tpu.memory_space<vmem>>) target_semaphore(%arg9 : memref<!tpu.dma_semaphore, #tpu.memory_space<semaphore_mem>>)
    %dma_start3A_8 = arith.constant 0 : i32
    %dma_start3A_9 = tpu.memref_slice %arg3[%add3A_4, %dma_start3A_8] : memref<24576x2048xi32, #tpu.memory_space<hbm>> -> memref<16x2048xi32, #tpu.memory_space<hbm>>
    %dma_start3A_10 = arith.constant 0 : i32
    %dma_start3A_11 = tpu.memref_slice %arg3[%add3A_4, %dma_start3A_10] : memref<24576x2048xi32, #tpu.memory_space<hbm>> -> memref<16x2048xi32, #tpu.memory_space<hbm>>
    tpu.enqueue_dma source(%dma_start3A_11 : memref<16x2048xi32, #tpu.memory_space<hbm>>) target(%arg6 : memref<16x2048xi32, #tpu.memory_space<vmem>>) target_semaphore(%arg10 : memref<!tpu.dma_semaphore, #tpu.memory_space<semaphore_mem>>)
    %scan3A = arith.constant 0 : i32
    %scan3A_12 = arith.constant 0xFF800000 : f32
    %scan3A_13 = arith.constant 0 : i32
    %scan3A_14 = arith.constant 24 : i32
    %scan3A_15 = arith.addi %scan3A_13, %scan3A_14 : i32
    %scan3A_16 = arith.constant 1 : i32
    scf.for %scan3A_29 = %scan3A_13 to %scan3A_15 step %scan3A_16  : i32 {
      %mul3A_30 = arith.constant 2 : i32
      %mul3A_31 = arith.muli %mul3A_30, %scan3A_29 : i32
      %add3A_32 = arith.constant 1 : i32
      %add3A_33 = arith.addi %mul3A_31, %add3A_32 : i32
      %gt3A = arith.constant 0 : i32
      %gt3A_34 = arith.cmpi sgt, %scan3A_29, %gt3A : i32
      %convert_element_type3A = arith.extui %gt3A_34 : i1 to i32
      %cond3A = arith.constant 0 : i32
      %cond3A_35 = arith.cmpi ne, %convert_element_type3A, %cond3A : i32
      scf.if %cond3A_35 {
        %sub3A = arith.constant 1 : i32
        %sub3A_101 = arith.subi %mul3A_31, %sub3A : i32
        %mul3A_102 = arith.constant 16 : i32
        %mul3A_103 = arith.muli %sub3A_101, %mul3A_102 : i32
        %add3A_104 = arith.addi %mul3A_2, %mul3A_103 : i32
        %dma_wait3A_105 = arith.constant 0 : i32
        %dma_wait3A_106 = tpu.memref_slice %arg4[%add3A_104, %dma_wait3A_105] : memref<24576x2048xf32, #tpu.memory_space<hbm>> -> memref<16x2048xf32, #tpu.memory_space<hbm>>
        %dma_wait3A_107 = arith.constant 0 : i32
        %dma_wait3A_108 = tpu.memref_slice %arg4[%add3A_104, %dma_wait3A_107] : memref<24576x2048xf32, #tpu.memory_space<hbm>> -> memref<16x2048xf32, #tpu.memory_space<hbm>>
        tpu.wait_dma2 semaphore(%arg14 : memref<!tpu.dma_semaphore, #tpu.memory_space<semaphore_mem>>) src(%arg7 : memref<16x2048xf32, #tpu.memory_space<vmem>>) dst(%dma_wait3A_108 : memref<16x2048xf32, #tpu.memory_space<hbm>>)
      } else {
      }
      %mul3A_36 = arith.constant 16 : i32
      %mul3A_37 = arith.muli %add3A_33, %mul3A_36 : i32
      %add3A_38 = arith.addi %mul3A_2, %mul3A_37 : i32
      %dma_start3A_39 = arith.constant 0 : i32
      %dma_start3A_40 = tpu.memref_slice %arg2[%add3A_38, %dma_start3A_39] : memref<24576x2048xf32, #tpu.memory_space<hbm>> -> memref<16x2048xf32, #tpu.memory_space<hbm>>
      %dma_start3A_41 = arith.constant 0 : i32
      %dma_start3A_42 = tpu.memref_slice %arg2[%add3A_38, %dma_start3A_41] : memref<24576x2048xf32, #tpu.memory_space<hbm>> -> memref<16x2048xf32, #tpu.memory_space<hbm>>
      tpu.enqueue_dma source(%dma_start3A_42 : memref<16x2048xf32, #tpu.memory_space<hbm>>) target(%arg7 : memref<16x2048xf32, #tpu.memory_space<vmem>>) target_semaphore(%arg11 : memref<!tpu.dma_semaphore, #tpu.memory_space<semaphore_mem>>)
      %dma_start3A_43 = arith.constant 0 : i32
      %dma_start3A_44 = tpu.memref_slice %arg3[%add3A_38, %dma_start3A_43] : memref<24576x2048xi32, #tpu.memory_space<hbm>> -> memref<16x2048xi32, #tpu.memory_space<hbm>>
      %dma_start3A_45 = arith.constant 0 : i32
      %dma_start3A_46 = tpu.memref_slice %arg3[%add3A_38, %dma_start3A_45] : memref<24576x2048xi32, #tpu.memory_space<hbm>> -> memref<16x2048xi32, #tpu.memory_space<hbm>>
      tpu.enqueue_dma source(%dma_start3A_46 : memref<16x2048xi32, #tpu.memory_space<hbm>>) target(%arg8 : memref<16x2048xi32, #tpu.memory_space<vmem>>) target_semaphore(%arg12 : memref<!tpu.dma_semaphore, #tpu.memory_space<semaphore_mem>>)
      %mul3A_47 = arith.constant 16 : i32
      %mul3A_48 = arith.muli %mul3A_31, %mul3A_47 : i32
      %add3A_49 = arith.addi %mul3A_2, %mul3A_48 : i32
      %dma_wait3A_50 = arith.constant 0 : i32
      %dma_wait3A_51 = tpu.memref_slice %arg2[%add3A_49, %dma_wait3A_50] : memref<24576x2048xf32, #tpu.memory_space<hbm>> -> memref<16x2048xf32, #tpu.memory_space<hbm>>
      %dma_wait3A_52 = arith.constant 0 : i32
      %dma_wait3A_53 = tpu.memref_slice %arg2[%add3A_49, %dma_wait3A_52] : memref<24576x2048xf32, #tpu.memory_space<hbm>> -> memref<16x2048xf32, #tpu.memory_space<hbm>>
      tpu.wait_dma2 semaphore(%arg9 : memref<!tpu.dma_semaphore, #tpu.memory_space<semaphore_mem>>) src(%dma_wait3A_53 : memref<16x2048xf32, #tpu.memory_space<hbm>>) dst(%arg5 : memref<16x2048xf32, #tpu.memory_space<vmem>>)
      %dma_wait3A_54 = arith.constant 0 : i32
      %dma_wait3A_55 = tpu.memref_slice %arg3[%add3A_49, %dma_wait3A_54] : memref<24576x2048xi32, #tpu.memory_space<hbm>> -> memref<16x2048xi32, #tpu.memory_space<hbm>>
      %dma_wait3A_56 = arith.constant 0 : i32
      %dma_wait3A_57 = tpu.memref_slice %arg3[%add3A_49, %dma_wait3A_56] : memref<24576x2048xi32, #tpu.memory_space<hbm>> -> memref<16x2048xi32, #tpu.memory_space<hbm>>
      tpu.wait_dma2 semaphore(%arg10 : memref<!tpu.dma_semaphore, #tpu.memory_space<semaphore_mem>>) src(%dma_wait3A_57 : memref<16x2048xi32, #tpu.memory_space<hbm>>) dst(%arg6 : memref<16x2048xi32, #tpu.memory_space<vmem>>)
      %scan3A_58 = arith.constant 0 : i32
      %scan3A_59 = arith.constant 0 : i32
      %scan3A_60 = arith.constant 16 : i32
      %scan3A_61 = arith.addi %scan3A_59, %scan3A_60 : i32
      %scan3A_62 = arith.constant 1 : i32
      scf.for %scan3A_101 = %scan3A_59 to %scan3A_61 step %scan3A_62  : i32 {
        %broadcast_in_dim3A = vector.broadcast %scan3A_12 : f32 to vector<16xf32>
        %scan3A_102 = arith.constant 0 : i32
        %scan3A_103 = arith.constant 128 : i32
        %scan3A_104 = arith.addi %scan3A_102, %scan3A_103 : i32
        %scan3A_105 = arith.constant 8 : i32
        %scan3A_106 = scf.for %scan3A_220 = %scan3A_102 to %scan3A_104 step %scan3A_105 iter_args(%scan3A_221 = %broadcast_in_dim3A) -> (vector<16xf32>)  : i32 {
          %mul3A_222 = arith.constant 16 : i32
          %mul3A_223 = arith.muli %scan3A_220, %mul3A_222 : i32
          %get3A = arith.index_cast %scan3A_101 : i32 to index
          %get3A_224 = arith.index_cast %mul3A_223 : i32 to index
          %get3A_225 = tpu.vector_load %arg5[%get3A, %get3A_224] {strides = array<i32>} : memref<16x2048xf32, #tpu.memory_space<vmem>>, vector<1x16xf32>,
          %get3A_226 = vector.shape_cast %get3A_225 : vector<1x16xf32> to vector<16xf32>
          %mul3A_227 = arith.constant 16 : i32
          %mul3A_228 = arith.muli %scan3A_220, %mul3A_227 : i32
          %get3A_229 = arith.index_cast %scan3A_101 : i32 to index
          %get3A_230 = arith.index_cast %mul3A_228 : i32 to index
          %get3A_231 = tpu.vector_load %arg6[%get3A_229, %get3A_230] {strides = array<i32>} : memref<16x2048xi32, #tpu.memory_space<vmem>>, vector<1x16xi32>,
          %get3A_232 = vector.shape_cast %get3A_231 : vector<1x16xi32> to vector<16xi32>
          %ne3A = arith.constant 0 : i32
          %ne3A_233 = vector.broadcast %ne3A : i32 to vector<16xi32>
          %ne3A_234 = arith.cmpi ne, %get3A_232, %ne3A_233 : vector<16xi32>
          %ne3A_235 = arith.constant 0.000000e+00 : f32
          %ne3A_236 = vector.broadcast %ne3A_235 : f32 to vector<16xf32>
          %ne3A_237 = arith.cmpf one, %get3A_226, %ne3A_236 : vector<16xf32>
          %and3A = arith.andi %ne3A_234, %ne3A_237 : vector<16xi1>
          %broadcast_in_dim3A_238 = vector.broadcast %scan3A_12 : f32 to vector<16xf32>
          %select_n3A_239 = arith.select %and3A, %get3A_226, %broadcast_in_dim3A_238 : vector<16xi1>, vector<16xf32>
          %mul3A_240 = arith.constant 16 : i32
          %mul3A_241 = arith.muli %scan3A_220, %mul3A_240 : i32
          %swap3A = arith.index_cast %scan3A_101 : i32 to index
          %swap3A_242 = arith.index_cast %mul3A_241 : i32 to index
          %swap3A_243 = tpu.vector_load %arg5[%swap3A, %swap3A_242] {strides = array<i32>} : memref<16x2048xf32, #tpu.memory_space<vmem>>, vector<1x16xf32>,
          %swap3A_244 = vector.shape_cast %swap3A_243 : vector<1x16xf32> to vector<16xf32>
          %swap3A_245 = vector.shape_cast %select_n3A_239 : vector<16xf32> to vector<1x16xf32>
          tpu.vector_store %arg5[%swap3A, %swap3A_242], %swap3A_245 {strides = array<i32>} : memref<16x2048xf32, #tpu.memory_space<vmem>>, vector<1x16xf32>,
          %max3A_246 = arith.maximumf %scan3A_221, %select_n3A_239 : vector<16xf32>
          %scan3A_247 = arith.constant 1 : i32
          %scan3A_248 = arith.addi %scan3A_220, %scan3A_247 : i32
          %mul3A_249 = arith.constant 16 : i32
          %mul3A_250 = arith.muli %scan3A_248, %mul3A_249 : i32
          %get3A_251 = arith.index_cast %scan3A_101 : i32 to index
          %get3A_252 = arith.index_cast %mul3A_250 : i32 to index
          %get3A_253 = tpu.vector_load %arg5[%get3A_251, %get3A_252] {strides = array<i32>} : memref<16x2048xf32, #tpu.memory_space<vmem>>, vector<1x16xf32>,
          %get3A_254 = vector.shape_cast %get3A_253 : vector<1x16xf32> to vector<16xf32>
          %mul3A_255 = arith.constant 16 : i32
          %mul3A_256 = arith.muli %scan3A_248, %mul3A_255 : i32
          %get3A_257 = arith.index_cast %scan3A_101 : i32 to index
          %get3A_258 = arith.index_cast %mul3A_256 : i32 to index
          %get3A_259 = tpu.vector_load %arg6[%get3A_257, %get3A_258] {strides = array<i32>} : memref<16x2048xi32, #tpu.memory_space<vmem>>, vector<1x16xi32>,
          %get3A_260 = vector.shape_cast %get3A_259 : vector<1x16xi32> to vector<16xi32>
          %ne3A_261 = arith.constant 0 : i32
          %ne3A_262 = vector.broadcast %ne3A_261 : i32 to vector<16xi32>
          %ne3A_263 = arith.cmpi ne, %get3A_260, %ne3A_262 : vector<16xi32>
          %ne3A_264 = arith.constant 0.000000e+00 : f32
          %ne3A_265 = vector.broadcast %ne3A_264 : f32 to vector<16xf32>
          %ne3A_266 = arith.cmpf one, %get3A_254, %ne3A_265 : vector<16xf32>
          %and3A_267 = arith.andi %ne3A_263, %ne3A_266 : vector<16xi1>
          %broadcast_in_dim3A_268 = vector.broadcast %scan3A_12 : f32 to vector<16xf32>
          %select_n3A_269 = arith.select %and3A_267, %get3A_254, %broadcast_in_dim3A_268 : vector<16xi1>, vector<16xf32>
          %mul3A_270 = arith.constant 16 : i32
          %mul3A_271 = arith.muli %scan3A_248, %mul3A_270 : i32
          %swap3A_272 = arith.index_cast %scan3A_101 : i32 to index
          %swap3A_273 = arith.index_cast %mul3A_271 : i32 to index
          %swap3A_274 = tpu.vector_load %arg5[%swap3A_272, %swap3A_273] {strides = array<i32>} : memref<16x2048xf32, #tpu.memory_space<vmem>>, vector<1x16xf32>,
          %swap3A_275 = vector.shape_cast %swap3A_274 : vector<1x16xf32> to vector<16xf32>
          %swap3A_276 = vector.shape_cast %select_n3A_269 : vector<16xf32> to vector<1x16xf32>
          tpu.vector_store %arg5[%swap3A_272, %swap3A_273], %swap3A_276 {strides = array<i32>} : memref<16x2048xf32, #tpu.memory_space<vmem>>, vector<1x16xf32>,
          %max3A_277 = arith.maximumf %max3A_246, %select_n3A_269 : vector<16xf32>
          %scan3A_278 = arith.constant 2 : i32
          %scan3A_279 = arith.addi %scan3A_220, %scan3A_278 : i32
          %mul3A_280 = arith.constant 16 : i32
          %mul3A_281 = arith.muli %scan3A_279, %mul3A_280 : i32
          %get3A_282 = arith.index_cast %scan3A_101 : i32 to index
          %get3A_283 = arith.index_cast %mul3A_281 : i32 to index
          %get3A_284 = tpu.vector_load %arg5[%get3A_282, %get3A_283] {strides = array<i32>} : memref<16x2048xf32, #tpu.memory_space<vmem>>, vector<1x16xf32>,
          %get3A_285 = vector.shape_cast %get3A_284 : vector<1x16xf32> to vector<16xf32>
          %mul3A_286 = arith.constant 16 : i32
          %mul3A_287 = arith.muli %scan3A_279, %mul3A_286 : i32
          %get3A_288 = arith.index_cast %scan3A_101 : i32 to index
          %get3A_289 = arith.index_cast %mul3A_287 : i32 to index
          %get3A_290 = tpu.vector_load %arg6[%get3A_288, %get3A_289] {strides = array<i32>} : memref<16x2048xi32, #tpu.memory_space<vmem>>, vector<1x16xi32>,
          %get3A_291 = vector.shape_cast %get3A_290 : vector<1x16xi32> to vector<16xi32>
          %ne3A_292 = arith.constant 0 : i32
          %ne3A_293 = vector.broadcast %ne3A_292 : i32 to vector<16xi32>
          %ne3A_294 = arith.cmpi ne, %get3A_291, %ne3A_293 : vector<16xi32>
          %ne3A_295 = arith.constant 0.000000e+00 : f32
          %ne3A_296 = vector.broadcast %ne3A_295 : f32 to vector<16xf32>
          %ne3A_297 = arith.cmpf one, %get3A_285, %ne3A_296 : vector<16xf32>
          %and3A_298 = arith.andi %ne3A_294, %ne3A_297 : vector<16xi1>
          %broadcast_in_dim3A_299 = vector.broadcast %scan3A_12 : f32 to vector<16xf32>
          %select_n3A_300 = arith.select %and3A_298, %get3A_285, %broadcast_in_dim3A_299 : vector<16xi1>, vector<16xf32>
          %mul3A_301 = arith.constant 16 : i32
          %mul3A_302 = arith.muli %scan3A_279, %mul3A_301 : i32
          %swap3A_303 = arith.index_cast %scan3A_101 : i32 to index
          %swap3A_304 = arith.index_cast %mul3A_302 : i32 to index
          %swap3A_305 = tpu.vector_load %arg5[%swap3A_303, %swap3A_304] {strides = array<i32>} : memref<16x2048xf32, #tpu.memory_space<vmem>>, vector<1x16xf32>,
          %swap3A_306 = vector.shape_cast %swap3A_305 : vector<1x16xf32> to vector<16xf32>
          %swap3A_307 = vector.shape_cast %select_n3A_300 : vector<16xf32> to vector<1x16xf32>
          tpu.vector_store %arg5[%swap3A_303, %swap3A_304], %swap3A_307 {strides = array<i32>} : memref<16x2048xf32, #tpu.memory_space<vmem>>, vector<1x16xf32>,
          %max3A_308 = arith.maximumf %max3A_277, %select_n3A_300 : vector<16xf32>
          %scan3A_309 = arith.constant 3 : i32
          %scan3A_310 = arith.addi %scan3A_220, %scan3A_309 : i32
          %mul3A_311 = arith.constant 16 : i32
          %mul3A_312 = arith.muli %scan3A_310, %mul3A_311 : i32
          %get3A_313 = arith.index_cast %scan3A_101 : i32 to index
          %get3A_314 = arith.index_cast %mul3A_312 : i32 to index
          %get3A_315 = tpu.vector_load %arg5[%get3A_313, %get3A_314] {strides = array<i32>} : memref<16x2048xf32, #tpu.memory_space<vmem>>, vector<1x16xf32>,
          %get3A_316 = vector.shape_cast %get3A_315 : vector<1x16xf32> to vector<16xf32>
          %mul3A_317 = arith.constant 16 : i32
          %mul3A_318 = arith.muli %scan3A_310, %mul3A_317 : i32
          %get3A_319 = arith.index_cast %scan3A_101 : i32 to index
          %get3A_320 = arith.index_cast %mul3A_318 : i32 to index
          %get3A_321 = tpu.vector_load %arg6[%get3A_319, %get3A_320] {strides = array<i32>} : memref<16x2048xi32, #tpu.memory_space<vmem>>, vector<1x16xi32>,
          %get3A_322 = vector.shape_cast %get3A_321 : vector<1x16xi32> to vector<16xi32>
          %ne3A_323 = arith.constant 0 : i32
          %ne3A_324 = vector.broadcast %ne3A_323 : i32 to vector<16xi32>
          %ne3A_325 = arith.cmpi ne, %get3A_322, %ne3A_324 : vector<16xi32>
          %ne3A_326 = arith.constant 0.000000e+00 : f32
          %ne3A_327 = vector.broadcast %ne3A_326 : f32 to vector<16xf32>
          %ne3A_328 = arith.cmpf one, %get3A_316, %ne3A_327 : vector<16xf32>
          %and3A_329 = arith.andi %ne3A_325, %ne3A_328 : vector<16xi1>
          %broadcast_in_dim3A_330 = vector.broadcast %scan3A_12 : f32 to vector<16xf32>
          %select_n3A_331 = arith.select %and3A_329, %get3A_316, %broadcast_in_dim3A_330 : vector<16xi1>, vector<16xf32>
          %mul3A_332 = arith.constant 16 : i32
          %mul3A_333 = arith.muli %scan3A_310, %mul3A_332 : i32
          %swap3A_334 = arith.index_cast %scan3A_101 : i32 to index
          %swap3A_335 = arith.index_cast %mul3A_333 : i32 to index
          %swap3A_336 = tpu.vector_load %arg5[%swap3A_334, %swap3A_335] {strides = array<i32>} : memref<16x2048xf32, #tpu.memory_space<vmem>>, vector<1x16xf32>,
          %swap3A_337 = vector.shape_cast %swap3A_336 : vector<1x16xf32> to vector<16xf32>
          %swap3A_338 = vector.shape_cast %select_n3A_331 : vector<16xf32> to vector<1x16xf32>
          tpu.vector_store %arg5[%swap3A_334, %swap3A_335], %swap3A_338 {strides = array<i32>} : memref<16x2048xf32, #tpu.memory_space<vmem>>, vector<1x16xf32>,
          %max3A_339 = arith.maximumf %max3A_308, %select_n3A_331 : vector<16xf32>
          %scan3A_340 = arith.constant 4 : i32
          %scan3A_341 = arith.addi %scan3A_220, %scan3A_340 : i32
          %mul3A_342 = arith.constant 16 : i32
          %mul3A_343 = arith.muli %scan3A_341, %mul3A_342 : i32
          %get3A_344 = arith.index_cast %scan3A_101 : i32 to index
          %get3A_345 = arith.index_cast %mul3A_343 : i32 to index
          %get3A_346 = tpu.vector_load %arg5[%get3A_344, %get3A_345] {strides = array<i32>} : memref<16x2048xf32, #tpu.memory_space<vmem>>, vector<1x16xf32>,
          %get3A_347 = vector.shape_cast %get3A_346 : vector<1x16xf32> to vector<16xf32>
          %mul3A_348 = arith.constant 16 : i32
          %mul3A_349 = arith.muli %scan3A_341, %mul3A_348 : i32
          %get3A_350 = arith.index_cast %scan3A_101 : i32 to index
          %get3A_351 = arith.index_cast %mul3A_349 : i32 to index
          %get3A_352 = tpu.vector_load %arg6[%get3A_350, %get3A_351] {strides = array<i32>} : memref<16x2048xi32, #tpu.memory_space<vmem>>, vector<1x16xi32>,
          %get3A_353 = vector.shape_cast %get3A_352 : vector<1x16xi32> to vector<16xi32>
          %ne3A_354 = arith.constant 0 : i32
          %ne3A_355 = vector.broadcast %ne3A_354 : i32 to vector<16xi32>
          %ne3A_356 = arith.cmpi ne, %get3A_353, %ne3A_355 : vector<16xi32>
          %ne3A_357 = arith.constant 0.000000e+00 : f32
          %ne3A_358 = vector.broadcast %ne3A_357 : f32 to vector<16xf32>
          %ne3A_359 = arith.cmpf one, %get3A_347, %ne3A_358 : vector<16xf32>
          %and3A_360 = arith.andi %ne3A_356, %ne3A_359 : vector<16xi1>
          %broadcast_in_dim3A_361 = vector.broadcast %scan3A_12 : f32 to vector<16xf32>
          %select_n3A_362 = arith.select %and3A_360, %get3A_347, %broadcast_in_dim3A_361 : vector<16xi1>, vector<16xf32>
          %mul3A_363 = arith.constant 16 : i32
          %mul3A_364 = arith.muli %scan3A_341, %mul3A_363 : i32
          %swap3A_365 = arith.index_cast %scan3A_101 : i32 to index
          %swap3A_366 = arith.index_cast %mul3A_364 : i32 to index
          %swap3A_367 = tpu.vector_load %arg5[%swap3A_365, %swap3A_366] {strides = array<i32>} : memref<16x2048xf32, #tpu.memory_space<vmem>>, vector<1x16xf32>,
          %swap3A_368 = vector.shape_cast %swap3A_367 : vector<1x16xf32> to vector<16xf32>
          %swap3A_369 = vector.shape_cast %select_n3A_362 : vector<16xf32> to vector<1x16xf32>
          tpu.vector_store %arg5[%swap3A_365, %swap3A_366], %swap3A_369 {strides = array<i32>} : memref<16x2048xf32, #tpu.memory_space<vmem>>, vector<1x16xf32>,
          %max3A_370 = arith.maximumf %max3A_339, %select_n3A_362 : vector<16xf32>
          %scan3A_371 = arith.constant 5 : i32
          %scan3A_372 = arith.addi %scan3A_220, %scan3A_371 : i32
          %mul3A_373 = arith.constant 16 : i32
          %mul3A_374 = arith.muli %scan3A_372, %mul3A_373 : i32
          %get3A_375 = arith.index_cast %scan3A_101 : i32 to index
          %get3A_376 = arith.index_cast %mul3A_374 : i32 to index
          %get3A_377 = tpu.vector_load %arg5[%get3A_375, %get3A_376] {strides = array<i32>} : memref<16x2048xf32, #tpu.memory_space<vmem>>, vector<1x16xf32>,
          %get3A_378 = vector.shape_cast %get3A_377 : vector<1x16xf32> to vector<16xf32>
          %mul3A_379 = arith.constant 16 : i32
          %mul3A_380 = arith.muli %scan3A_372, %mul3A_379 : i32
          %get3A_381 = arith.index_cast %scan3A_101 : i32 to index
          %get3A_382 = arith.index_cast %mul3A_380 : i32 to index
          %get3A_383 = tpu.vector_load %arg6[%get3A_381, %get3A_382] {strides = array<i32>} : memref<16x2048xi32, #tpu.memory_space<vmem>>, vector<1x16xi32>,
          %get3A_384 = vector.shape_cast %get3A_383 : vector<1x16xi32> to vector<16xi32>
          %ne3A_385 = arith.constant 0 : i32
          %ne3A_386 = vector.broadcast %ne3A_385 : i32 to vector<16xi32>
          %ne3A_387 = arith.cmpi ne, %get3A_384, %ne3A_386 : vector<16xi32>
          %ne3A_388 = arith.constant 0.000000e+00 : f32
          %ne3A_389 = vector.broadcast %ne3A_388 : f32 to vector<16xf32>
          %ne3A_390 = arith.cmpf one, %get3A_378, %ne3A_389 : vector<16xf32>
          %and3A_391 = arith.andi %ne3A_387, %ne3A_390 : vector<16xi1>
          %broadcast_in_dim3A_392 = vector.broadcast %scan3A_12 : f32 to vector<16xf32>
          %select_n3A_393 = arith.select %and3A_391, %get3A_378, %broadcast_in_dim3A_392 : vector<16xi1>, vector<16xf32>
          %mul3A_394 = arith.constant 16 : i32
          %mul3A_395 = arith.muli %scan3A_372, %mul3A_394 : i32
          %swap3A_396 = arith.index_cast %scan3A_101 : i32 to index
          %swap3A_397 = arith.index_cast %mul3A_395 : i32 to index
          %swap3A_398 = tpu.vector_load %arg5[%swap3A_396, %swap3A_397] {strides = array<i32>} : memref<16x2048xf32, #tpu.memory_space<vmem>>, vector<1x16xf32>,
          %swap3A_399 = vector.shape_cast %swap3A_398 : vector<1x16xf32> to vector<16xf32>
          %swap3A_400 = vector.shape_cast %select_n3A_393 : vector<16xf32> to vector<1x16xf32>
          tpu.vector_store %arg5[%swap3A_396, %swap3A_397], %swap3A_400 {strides = array<i32>} : memref<16x2048xf32, #tpu.memory_space<vmem>>, vector<1x16xf32>,
          %max3A_401 = arith.maximumf %max3A_370, %select_n3A_393 : vector<16xf32>
          %scan3A_402 = arith.constant 6 : i32
          %scan3A_403 = arith.addi %scan3A_220, %scan3A_402 : i32
          %mul3A_404 = arith.constant 16 : i32
          %mul3A_405 = arith.muli %scan3A_403, %mul3A_404 : i32
          %get3A_406 = arith.index_cast %scan3A_101 : i32 to index
          %get3A_407 = arith.index_cast %mul3A_405 : i32 to index
          %get3A_408 = tpu.vector_load %arg5[%get3A_406, %get3A_407] {strides = array<i32>} : memref<16x2048xf32, #tpu.memory_space<vmem>>, vector<1x16xf32>,
          %get3A_409 = vector.shape_cast %get3A_408 : vector<1x16xf32> to vector<16xf32>
          %mul3A_410 = arith.constant 16 : i32
          %mul3A_411 = arith.muli %scan3A_403, %mul3A_410 : i32
          %get3A_412 = arith.index_cast %scan3A_101 : i32 to index
          %get3A_413 = arith.index_cast %mul3A_411 : i32 to index
          %get3A_414 = tpu.vector_load %arg6[%get3A_412, %get3A_413] {strides = array<i32>} : memref<16x2048xi32, #tpu.memory_space<vmem>>, vector<1x16xi32>,
          %get3A_415 = vector.shape_cast %get3A_414 : vector<1x16xi32> to vector<16xi32>
          %ne3A_416 = arith.constant 0 : i32
          %ne3A_417 = vector.broadcast %ne3A_416 : i32 to vector<16xi32>
          %ne3A_418 = arith.cmpi ne, %get3A_415, %ne3A_417 : vector<16xi32>
          %ne3A_419 = arith.constant 0.000000e+00 : f32
          %ne3A_420 = vector.broadcast %ne3A_419 : f32 to vector<16xf32>
          %ne3A_421 = arith.cmpf one, %get3A_409, %ne3A_420 : vector<16xf32>
          %and3A_422 = arith.andi %ne3A_418, %ne3A_421 : vector<16xi1>
          %broadcast_in_dim3A_423 = vector.broadcast %scan3A_12 : f32 to vector<16xf32>
          %select_n3A_424 = arith.select %and3A_422, %get3A_409, %broadcast_in_dim3A_423 : vector<16xi1>, vector<16xf32>
          %mul3A_425 = arith.constant 16 : i32
          %mul3A_426 = arith.muli %scan3A_403, %mul3A_425 : i32
          %swap3A_427 = arith.index_cast %scan3A_101 : i32 to index
          %swap3A_428 = arith.index_cast %mul3A_426 : i32 to index
          %swap3A_429 = tpu.vector_load %arg5[%swap3A_427, %swap3A_428] {strides = array<i32>} : memref<16x2048xf32, #tpu.memory_space<vmem>>, vector<1x16xf32>,
          %swap3A_430 = vector.shape_cast %swap3A_429 : vector<1x16xf32> to vector<16xf32>
          %swap3A_431 = vector.shape_cast %select_n3A_424 : vector<16xf32> to vector<1x16xf32>
          tpu.vector_store %arg5[%swap3A_427, %swap3A_428], %swap3A_431 {strides = array<i32>} : memref<16x2048xf32, #tpu.memory_space<vmem>>, vector<1x16xf32>,
          %max3A_432 = arith.maximumf %max3A_401, %select_n3A_424 : vector<16xf32>
          %scan3A_433 = arith.constant 7 : i32
          %scan3A_434 = arith.addi %scan3A_220, %scan3A_433 : i32
          %mul3A_435 = arith.constant 16 : i32
          %mul3A_436 = arith.muli %scan3A_434, %mul3A_435 : i32
          %get3A_437 = arith.index_cast %scan3A_101 : i32 to index
          %get3A_438 = arith.index_cast %mul3A_436 : i32 to index
          %get3A_439 = tpu.vector_load %arg5[%get3A_437, %get3A_438] {strides = array<i32>} : memref<16x2048xf32, #tpu.memory_space<vmem>>, vector<1x16xf32>,
          %get3A_440 = vector.shape_cast %get3A_439 : vector<1x16xf32> to vector<16xf32>
          %mul3A_441 = arith.constant 16 : i32
          %mul3A_442 = arith.muli %scan3A_434, %mul3A_441 : i32
          %get3A_443 = arith.index_cast %scan3A_101 : i32 to index
          %get3A_444 = arith.index_cast %mul3A_442 : i32 to index
          %get3A_445 = tpu.vector_load %arg6[%get3A_443, %get3A_444] {strides = array<i32>} : memref<16x2048xi32, #tpu.memory_space<vmem>>, vector<1x16xi32>,
          %get3A_446 = vector.shape_cast %get3A_445 : vector<1x16xi32> to vector<16xi32>
          %ne3A_447 = arith.constant 0 : i32
          %ne3A_448 = vector.broadcast %ne3A_447 : i32 to vector<16xi32>
          %ne3A_449 = arith.cmpi ne, %get3A_446, %ne3A_448 : vector<16xi32>
          %ne3A_450 = arith.constant 0.000000e+00 : f32
          %ne3A_451 = vector.broadcast %ne3A_450 : f32 to vector<16xf32>
          %ne3A_452 = arith.cmpf one, %get3A_440, %ne3A_451 : vector<16xf32>
          %and3A_453 = arith.andi %ne3A_449, %ne3A_452 : vector<16xi1>
          %broadcast_in_dim3A_454 = vector.broadcast %scan3A_12 : f32 to vector<16xf32>
          %select_n3A_455 = arith.select %and3A_453, %get3A_440, %broadcast_in_dim3A_454 : vector<16xi1>, vector<16xf32>
          %mul3A_456 = arith.constant 16 : i32
          %mul3A_457 = arith.muli %scan3A_434, %mul3A_456 : i32
          %swap3A_458 = arith.index_cast %scan3A_101 : i32 to index
          %swap3A_459 = arith.index_cast %mul3A_457 : i32 to index
          %swap3A_460 = tpu.vector_load %arg5[%swap3A_458, %swap3A_459] {strides = array<i32>} : memref<16x2048xf32, #tpu.memory_space<vmem>>, vector<1x16xf32>,
          %swap3A_461 = vector.shape_cast %swap3A_460 : vector<1x16xf32> to vector<16xf32>
          %swap3A_462 = vector.shape_cast %select_n3A_455 : vector<16xf32> to vector<1x16xf32>
          tpu.vector_store %arg5[%swap3A_458, %swap3A_459], %swap3A_462 {strides = array<i32>} : memref<16x2048xf32, #tpu.memory_space<vmem>>, vector<1x16xf32>,
          %max3A_463 = arith.maximumf %max3A_432, %select_n3A_455 : vector<16xf32>
          scf.yield %max3A_463 : vector<16xf32>
        }
        %scan3A_107 = arith.constant 128 : i32
        %slice3A = vector.extract_strided_slice %scan3A_106 {offsets = [0], sizes = [1], strides = [1]} : vector<16xf32> to vector<1xf32>
        %squeeze3A = vector.extract %slice3A[0] : f32 from vector<1xf32>
        %slice3A_108 = vector.extract_strided_slice %scan3A_106 {offsets = [1], sizes = [1], strides = [1]} : vector<16xf32> to vector<1xf32>
        %squeeze3A_109 = vector.extract %slice3A_108[0] : f32 from vector<1xf32>
        %max3A = arith.maximumf %squeeze3A, %squeeze3A_109 : f32
        %slice3A_110 = vector.extract_strided_slice %scan3A_106 {offsets = [2], sizes = [1], strides = [1]} : vector<16xf32> to vector<1xf32>
        %squeeze3A_111 = vector.extract %slice3A_110[0] : f32 from vector<1xf32>
        %max3A_112 = arith.maximumf %max3A, %squeeze3A_111 : f32
        %slice3A_113 = vector.extract_strided_slice %scan3A_106 {offsets = [3], sizes = [1], strides = [1]} : vector<16xf32> to vector<1xf32>
        %squeeze3A_114 = vector.extract %slice3A_113[0] : f32 from vector<1xf32>
        %max3A_115 = arith.maximumf %max3A_112, %squeeze3A_114 : f32
        %slice3A_116 = vector.extract_strided_slice %scan3A_106 {offsets = [4], sizes = [1], strides = [1]} : vector<16xf32> to vector<1xf32>
        %squeeze3A_117 = vector.extract %slice3A_116[0] : f32 from vector<1xf32>
        %max3A_118 = arith.maximumf %max3A_115, %squeeze3A_117 : f32
        %slice3A_119 = vector.extract_strided_slice %scan3A_106 {offsets = [5], sizes = [1], strides = [1]} : vector<16xf32> to vector<1xf32>
        %squeeze3A_120 = vector.extract %slice3A_119[0] : f32 from vector<1xf32>
        %max3A_121 = arith.maximumf %max3A_118, %squeeze3A_120 : f32
        %slice3A_122 = vector.extract_strided_slice %scan3A_106 {offsets = [6], sizes = [1], strides = [1]} : vector<16xf32> to vector<1xf32>
        %squeeze3A_123 = vector.extract %slice3A_122[0] : f32 from vector<1xf32>
        %max3A_124 = arith.maximumf %max3A_121, %squeeze3A_123 : f32
        %slice3A_125 = vector.extract_strided_slice %scan3A_106 {offsets = [7], sizes = [1], strides = [1]} : vector<16xf32> to vector<1xf32>
        %squeeze3A_126 = vector.extract %slice3A_125[0] : f32 from vector<1xf32>
        %max3A_127 = arith.maximumf %max3A_124, %squeeze3A_126 : f32
        %slice3A_128 = vector.extract_strided_slice %scan3A_106 {offsets = [8], sizes = [1], strides = [1]} : vector<16xf32> to vector<1xf32>
        %squeeze3A_129 = vector.extract %slice3A_128[0] : f32 from vector<1xf32>
        %max3A_130 = arith.maximumf %max3A_127, %squeeze3A_129 : f32
        %slice3A_131 = vector.extract_strided_slice %scan3A_106 {offsets = [9], sizes = [1], strides = [1]} : vector<16xf32> to vector<1xf32>
        %squeeze3A_132 = vector.extract %slice3A_131[0] : f32 from vector<1xf32>
        %max3A_133 = arith.maximumf %max3A_130, %squeeze3A_132 : f32
        %slice3A_134 = vector.extract_strided_slice %scan3A_106 {offsets = [10], sizes = [1], strides = [1]} : vector<16xf32> to vector<1xf32>
        %squeeze3A_135 = vector.extract %slice3A_134[0] : f32 from vector<1xf32>
        %max3A_136 = arith.maximumf %max3A_133, %squeeze3A_135 : f32
        %slice3A_137 = vector.extract_strided_slice %scan3A_106 {offsets = [11], sizes = [1], strides = [1]} : vector<16xf32> to vector<1xf32>
        %squeeze3A_138 = vector.extract %slice3A_137[0] : f32 from vector<1xf32>
        %max3A_139 = arith.maximumf %max3A_136, %squeeze3A_138 : f32
        %slice3A_140 = vector.extract_strided_slice %scan3A_106 {offsets = [12], sizes = [1], strides = [1]} : vector<16xf32> to vector<1xf32>
        %squeeze3A_141 = vector.extract %slice3A_140[0] : f32 from vector<1xf32>
        %max3A_142 = arith.maximumf %max3A_139, %squeeze3A_141 : f32
        %slice3A_143 = vector.extract_strided_slice %scan3A_106 {offsets = [13], sizes = [1], strides = [1]} : vector<16xf32> to vector<1xf32>
        %squeeze3A_144 = vector.extract %slice3A_143[0] : f32 from vector<1xf32>
        %max3A_145 = arith.maximumf %max3A_142, %squeeze3A_144 : f32
        %slice3A_146 = vector.extract_strided_slice %scan3A_106 {offsets = [14], sizes = [1], strides = [1]} : vector<16xf32> to vector<1xf32>
        %squeeze3A_147 = vector.extract %slice3A_146[0] : f32 from vector<1xf32>
        %max3A_148 = arith.maximumf %max3A_145, %squeeze3A_147 : f32
        %slice3A_149 = vector.extract_strided_slice %scan3A_106 {offsets = [15], sizes = [1], strides = [1]} : vector<16xf32> to vector<1xf32>
        %squeeze3A_150 = vector.extract %slice3A_149[0] : f32 from vector<1xf32>
        %max3A_151 = arith.maximumf %max3A_148, %squeeze3A_150 : f32
        %eq3A = arith.cmpf oeq, %max3A_151, %scan3A_12 : f32
        %jit3A = arith.constant 0.000000e+00 : f32
        %select_n3A = arith.select %eq3A, %jit3A, %max3A_151 : f32
        %broadcast_in_dim3A_152 = arith.constant 0.000000e+00 : f32
        %broadcast_in_dim3A_153 = vector.broadcast %broadcast_in_dim3A_152 : f32 to vector<16xf32>
        %scan3A_154 = arith.constant 0 : i32
        %scan3A_155 = arith.constant 128 : i32
        %scan3A_156 = arith.addi %scan3A_154, %scan3A_155 : i32
        %scan3A_157 = arith.constant 8 : i32
        %scan3A_158 = scf.for %scan3A_220 = %scan3A_154 to %scan3A_156 step %scan3A_157 iter_args(%scan3A_221 = %broadcast_in_dim3A_153) -> (vector<16xf32>)  : i32 {
          %mul3A_222 = arith.constant 16 : i32
          %mul3A_223 = arith.muli %scan3A_220, %mul3A_222 : i32
          %get3A = arith.index_cast %scan3A_101 : i32 to index
          %get3A_224 = arith.index_cast %mul3A_223 : i32 to index
          %get3A_225 = tpu.vector_load %arg5[%get3A, %get3A_224] {strides = array<i32>} : memref<16x2048xf32, #tpu.memory_space<vmem>>, vector<1x16xf32>,
          %get3A_226 = vector.shape_cast %get3A_225 : vector<1x16xf32> to vector<16xf32>
          %sub3A = vector.broadcast %select_n3A : f32 to vector<16xf32>
          %sub3A_227 = arith.subf %get3A_226, %sub3A : vector<16xf32>
          %exp3A = math.exp %sub3A_227 : vector<16xf32>
          %mul3A_228 = arith.constant 16 : i32
          %mul3A_229 = arith.muli %scan3A_220, %mul3A_228 : i32
          %swap3A = arith.index_cast %scan3A_101 : i32 to index
          %swap3A_230 = arith.index_cast %mul3A_229 : i32 to index
          %swap3A_231 = tpu.vector_load %arg5[%swap3A, %swap3A_230] {strides = array<i32>} : memref<16x2048xf32, #tpu.memory_space<vmem>>, vector<1x16xf32>,
          %swap3A_232 = vector.shape_cast %swap3A_231 : vector<1x16xf32> to vector<16xf32>
          %swap3A_233 = vector.shape_cast %exp3A : vector<16xf32> to vector<1x16xf32>
          tpu.vector_store %arg5[%swap3A, %swap3A_230], %swap3A_233 {strides = array<i32>} : memref<16x2048xf32, #tpu.memory_space<vmem>>, vector<1x16xf32>,
          %add3A_234 = arith.addf %scan3A_221, %exp3A : vector<16xf32>
          %scan3A_235 = arith.constant 1 : i32
          %scan3A_236 = arith.addi %scan3A_220, %scan3A_235 : i32
          %mul3A_237 = arith.constant 16 : i32
          %mul3A_238 = arith.muli %scan3A_236, %mul3A_237 : i32
          %get3A_239 = arith.index_cast %scan3A_101 : i32 to index
          %get3A_240 = arith.index_cast %mul3A_238 : i32 to index
          %get3A_241 = tpu.vector_load %arg5[%get3A_239, %get3A_240] {strides = array<i32>} : memref<16x2048xf32, #tpu.memory_space<vmem>>, vector<1x16xf32>,
          %get3A_242 = vector.shape_cast %get3A_241 : vector<1x16xf32> to vector<16xf32>
          %sub3A_243 = vector.broadcast %select_n3A : f32 to vector<16xf32>
          %sub3A_244 = arith.subf %get3A_242, %sub3A_243 : vector<16xf32>
          %exp3A_245 = math.exp %sub3A_244 : vector<16xf32>
          %mul3A_246 = arith.constant 16 : i32
          %mul3A_247 = arith.muli %scan3A_236, %mul3A_246 : i32
          %swap3A_248 = arith.index_cast %scan3A_101 : i32 to index
          %swap3A_249 = arith.index_cast %mul3A_247 : i32 to index
          %swap3A_250 = tpu.vector_load %arg5[%swap3A_248, %swap3A_249] {strides = array<i32>} : memref<16x2048xf32, #tpu.memory_space<vmem>>, vector<1x16xf32>,
          %swap3A_251 = vector.shape_cast %swap3A_250 : vector<1x16xf32> to vector<16xf32>
          %swap3A_252 = vector.shape_cast %exp3A_245 : vector<16xf32> to vector<1x16xf32>
          tpu.vector_store %arg5[%swap3A_248, %swap3A_249], %swap3A_252 {strides = array<i32>} : memref<16x2048xf32, #tpu.memory_space<vmem>>, vector<1x16xf32>,
          %add3A_253 = arith.addf %add3A_234, %exp3A_245 : vector<16xf32>
          %scan3A_254 = arith.constant 2 : i32
          %scan3A_255 = arith.addi %scan3A_220, %scan3A_254 : i32
          %mul3A_256 = arith.constant 16 : i32
          %mul3A_257 = arith.muli %scan3A_255, %mul3A_256 : i32
          %get3A_258 = arith.index_cast %scan3A_101 : i32 to index
          %get3A_259 = arith.index_cast %mul3A_257 : i32 to index
          %get3A_260 = tpu.vector_load %arg5[%get3A_258, %get3A_259] {strides = array<i32>} : memref<16x2048xf32, #tpu.memory_space<vmem>>, vector<1x16xf32>,
          %get3A_261 = vector.shape_cast %get3A_260 : vector<1x16xf32> to vector<16xf32>
          %sub3A_262 = vector.broadcast %select_n3A : f32 to vector<16xf32>
          %sub3A_263 = arith.subf %get3A_261, %sub3A_262 : vector<16xf32>
          %exp3A_264 = math.exp %sub3A_263 : vector<16xf32>
          %mul3A_265 = arith.constant 16 : i32
          %mul3A_266 = arith.muli %scan3A_255, %mul3A_265 : i32
          %swap3A_267 = arith.index_cast %scan3A_101 : i32 to index
          %swap3A_268 = arith.index_cast %mul3A_266 : i32 to index
          %swap3A_269 = tpu.vector_load %arg5[%swap3A_267, %swap3A_268] {strides = array<i32>} : memref<16x2048xf32, #tpu.memory_space<vmem>>, vector<1x16xf32>,
          %swap3A_270 = vector.shape_cast %swap3A_269 : vector<1x16xf32> to vector<16xf32>
          %swap3A_271 = vector.shape_cast %exp3A_264 : vector<16xf32> to vector<1x16xf32>
          tpu.vector_store %arg5[%swap3A_267, %swap3A_268], %swap3A_271 {strides = array<i32>} : memref<16x2048xf32, #tpu.memory_space<vmem>>, vector<1x16xf32>,
          %add3A_272 = arith.addf %add3A_253, %exp3A_264 : vector<16xf32>
          %scan3A_273 = arith.constant 3 : i32
          %scan3A_274 = arith.addi %scan3A_220, %scan3A_273 : i32
          %mul3A_275 = arith.constant 16 : i32
          %mul3A_276 = arith.muli %scan3A_274, %mul3A_275 : i32
          %get3A_277 = arith.index_cast %scan3A_101 : i32 to index
          %get3A_278 = arith.index_cast %mul3A_276 : i32 to index
          %get3A_279 = tpu.vector_load %arg5[%get3A_277, %get3A_278] {strides = array<i32>} : memref<16x2048xf32, #tpu.memory_space<vmem>>, vector<1x16xf32>,
          %get3A_280 = vector.shape_cast %get3A_279 : vector<1x16xf32> to vector<16xf32>
          %sub3A_281 = vector.broadcast %select_n3A : f32 to vector<16xf32>
          %sub3A_282 = arith.subf %get3A_280, %sub3A_281 : vector<16xf32>
          %exp3A_283 = math.exp %sub3A_282 : vector<16xf32>
          %mul3A_284 = arith.constant 16 : i32
          %mul3A_285 = arith.muli %scan3A_274, %mul3A_284 : i32
          %swap3A_286 = arith.index_cast %scan3A_101 : i32 to index
          %swap3A_287 = arith.index_cast %mul3A_285 : i32 to index
          %swap3A_288 = tpu.vector_load %arg5[%swap3A_286, %swap3A_287] {strides = array<i32>} : memref<16x2048xf32, #tpu.memory_space<vmem>>, vector<1x16xf32>,
          %swap3A_289 = vector.shape_cast %swap3A_288 : vector<1x16xf32> to vector<16xf32>
          %swap3A_290 = vector.shape_cast %exp3A_283 : vector<16xf32> to vector<1x16xf32>
          tpu.vector_store %arg5[%swap3A_286, %swap3A_287], %swap3A_290 {strides = array<i32>} : memref<16x2048xf32, #tpu.memory_space<vmem>>, vector<1x16xf32>,
          %add3A_291 = arith.addf %add3A_272, %exp3A_283 : vector<16xf32>
          %scan3A_292 = arith.constant 4 : i32
          %scan3A_293 = arith.addi %scan3A_220, %scan3A_292 : i32
          %mul3A_294 = arith.constant 16 : i32
          %mul3A_295 = arith.muli %scan3A_293, %mul3A_294 : i32
          %get3A_296 = arith.index_cast %scan3A_101 : i32 to index
          %get3A_297 = arith.index_cast %mul3A_295 : i32 to index
          %get3A_298 = tpu.vector_load %arg5[%get3A_296, %get3A_297] {strides = array<i32>} : memref<16x2048xf32, #tpu.memory_space<vmem>>, vector<1x16xf32>,
          %get3A_299 = vector.shape_cast %get3A_298 : vector<1x16xf32> to vector<16xf32>
          %sub3A_300 = vector.broadcast %select_n3A : f32 to vector<16xf32>
          %sub3A_301 = arith.subf %get3A_299, %sub3A_300 : vector<16xf32>
          %exp3A_302 = math.exp %sub3A_301 : vector<16xf32>
          %mul3A_303 = arith.constant 16 : i32
          %mul3A_304 = arith.muli %scan3A_293, %mul3A_303 : i32
          %swap3A_305 = arith.index_cast %scan3A_101 : i32 to index
          %swap3A_306 = arith.index_cast %mul3A_304 : i32 to index
          %swap3A_307 = tpu.vector_load %arg5[%swap3A_305, %swap3A_306] {strides = array<i32>} : memref<16x2048xf32, #tpu.memory_space<vmem>>, vector<1x16xf32>,
          %swap3A_308 = vector.shape_cast %swap3A_307 : vector<1x16xf32> to vector<16xf32>
          %swap3A_309 = vector.shape_cast %exp3A_302 : vector<16xf32> to vector<1x16xf32>
          tpu.vector_store %arg5[%swap3A_305, %swap3A_306], %swap3A_309 {strides = array<i32>} : memref<16x2048xf32, #tpu.memory_space<vmem>>, vector<1x16xf32>,
          %add3A_310 = arith.addf %add3A_291, %exp3A_302 : vector<16xf32>
          %scan3A_311 = arith.constant 5 : i32
          %scan3A_312 = arith.addi %scan3A_220, %scan3A_311 : i32
          %mul3A_313 = arith.constant 16 : i32
          %mul3A_314 = arith.muli %scan3A_312, %mul3A_313 : i32
          %get3A_315 = arith.index_cast %scan3A_101 : i32 to index
          %get3A_316 = arith.index_cast %mul3A_314 : i32 to index
          %get3A_317 = tpu.vector_load %arg5[%get3A_315, %get3A_316] {strides = array<i32>} : memref<16x2048xf32, #tpu.memory_space<vmem>>, vector<1x16xf32>,
          %get3A_318 = vector.shape_cast %get3A_317 : vector<1x16xf32> to vector<16xf32>
          %sub3A_319 = vector.broadcast %select_n3A : f32 to vector<16xf32>
          %sub3A_320 = arith.subf %get3A_318, %sub3A_319 : vector<16xf32>
          %exp3A_321 = math.exp %sub3A_320 : vector<16xf32>
          %mul3A_322 = arith.constant 16 : i32
          %mul3A_323 = arith.muli %scan3A_312, %mul3A_322 : i32
          %swap3A_324 = arith.index_cast %scan3A_101 : i32 to index
          %swap3A_325 = arith.index_cast %mul3A_323 : i32 to index
          %swap3A_326 = tpu.vector_load %arg5[%swap3A_324, %swap3A_325] {strides = array<i32>} : memref<16x2048xf32, #tpu.memory_space<vmem>>, vector<1x16xf32>,
          %swap3A_327 = vector.shape_cast %swap3A_326 : vector<1x16xf32> to vector<16xf32>
          %swap3A_328 = vector.shape_cast %exp3A_321 : vector<16xf32> to vector<1x16xf32>
          tpu.vector_store %arg5[%swap3A_324, %swap3A_325], %swap3A_328 {strides = array<i32>} : memref<16x2048xf32, #tpu.memory_space<vmem>>, vector<1x16xf32>,
          %add3A_329 = arith.addf %add3A_310, %exp3A_321 : vector<16xf32>
          %scan3A_330 = arith.constant 6 : i32
          %scan3A_331 = arith.addi %scan3A_220, %scan3A_330 : i32
          %mul3A_332 = arith.constant 16 : i32
          %mul3A_333 = arith.muli %scan3A_331, %mul3A_332 : i32
          %get3A_334 = arith.index_cast %scan3A_101 : i32 to index
          %get3A_335 = arith.index_cast %mul3A_333 : i32 to index
          %get3A_336 = tpu.vector_load %arg5[%get3A_334, %get3A_335] {strides = array<i32>} : memref<16x2048xf32, #tpu.memory_space<vmem>>, vector<1x16xf32>,
          %get3A_337 = vector.shape_cast %get3A_336 : vector<1x16xf32> to vector<16xf32>
          %sub3A_338 = vector.broadcast %select_n3A : f32 to vector<16xf32>
          %sub3A_339 = arith.subf %get3A_337, %sub3A_338 : vector<16xf32>
          %exp3A_340 = math.exp %sub3A_339 : vector<16xf32>
          %mul3A_341 = arith.constant 16 : i32
          %mul3A_342 = arith.muli %scan3A_331, %mul3A_341 : i32
          %swap3A_343 = arith.index_cast %scan3A_101 : i32 to index
          %swap3A_344 = arith.index_cast %mul3A_342 : i32 to index
          %swap3A_345 = tpu.vector_load %arg5[%swap3A_343, %swap3A_344] {strides = array<i32>} : memref<16x2048xf32, #tpu.memory_space<vmem>>, vector<1x16xf32>,
          %swap3A_346 = vector.shape_cast %swap3A_345 : vector<1x16xf32> to vector<16xf32>
          %swap3A_347 = vector.shape_cast %exp3A_340 : vector<16xf32> to vector<1x16xf32>
          tpu.vector_store %arg5[%swap3A_343, %swap3A_344], %swap3A_347 {strides = array<i32>} : memref<16x2048xf32, #tpu.memory_space<vmem>>, vector<1x16xf32>,
          %add3A_348 = arith.addf %add3A_329, %exp3A_340 : vector<16xf32>
          %scan3A_349 = arith.constant 7 : i32
          %scan3A_350 = arith.addi %scan3A_220, %scan3A_349 : i32
          %mul3A_351 = arith.constant 16 : i32
          %mul3A_352 = arith.muli %scan3A_350, %mul3A_351 : i32
          %get3A_353 = arith.index_cast %scan3A_101 : i32 to index
          %get3A_354 = arith.index_cast %mul3A_352 : i32 to index
          %get3A_355 = tpu.vector_load %arg5[%get3A_353, %get3A_354] {strides = array<i32>} : memref<16x2048xf32, #tpu.memory_space<vmem>>, vector<1x16xf32>,
          %get3A_356 = vector.shape_cast %get3A_355 : vector<1x16xf32> to vector<16xf32>
          %sub3A_357 = vector.broadcast %select_n3A : f32 to vector<16xf32>
          %sub3A_358 = arith.subf %get3A_356, %sub3A_357 : vector<16xf32>
          %exp3A_359 = math.exp %sub3A_358 : vector<16xf32>
          %mul3A_360 = arith.constant 16 : i32
          %mul3A_361 = arith.muli %scan3A_350, %mul3A_360 : i32
          %swap3A_362 = arith.index_cast %scan3A_101 : i32 to index
          %swap3A_363 = arith.index_cast %mul3A_361 : i32 to index
          %swap3A_364 = tpu.vector_load %arg5[%swap3A_362, %swap3A_363] {strides = array<i32>} : memref<16x2048xf32, #tpu.memory_space<vmem>>, vector<1x16xf32>,
          %swap3A_365 = vector.shape_cast %swap3A_364 : vector<1x16xf32> to vector<16xf32>
          %swap3A_366 = vector.shape_cast %exp3A_359 : vector<16xf32> to vector<1x16xf32>
          tpu.vector_store %arg5[%swap3A_362, %swap3A_363], %swap3A_366 {strides = array<i32>} : memref<16x2048xf32, #tpu.memory_space<vmem>>, vector<1x16xf32>,
          %add3A_367 = arith.addf %add3A_348, %exp3A_359 : vector<16xf32>
          scf.yield %add3A_367 : vector<16xf32>
        }
        %scan3A_159 = arith.constant 128 : i32
        %slice3A_160 = vector.extract_strided_slice %scan3A_158 {offsets = [0], sizes = [1], strides = [1]} : vector<16xf32> to vector<1xf32>
        %squeeze3A_161 = vector.extract %slice3A_160[0] : f32 from vector<1xf32>
        %slice3A_162 = vector.extract_strided_slice %scan3A_158 {offsets = [1], sizes = [1], strides = [1]} : vector<16xf32> to vector<1xf32>
        %squeeze3A_163 = vector.extract %slice3A_162[0] : f32 from vector<1xf32>
        %add3A_164 = arith.addf %squeeze3A_161, %squeeze3A_163 : f32
        %slice3A_165 = vector.extract_strided_slice %scan3A_158 {offsets = [2], sizes = [1], strides = [1]} : vector<16xf32> to vector<1xf32>
        %squeeze3A_166 = vector.extract %slice3A_165[0] : f32 from vector<1xf32>
        %add3A_167 = arith.addf %add3A_164, %squeeze3A_166 : f32
        %slice3A_168 = vector.extract_strided_slice %scan3A_158 {offsets = [3], sizes = [1], strides = [1]} : vector<16xf32> to vector<1xf32>
        %squeeze3A_169 = vector.extract %slice3A_168[0] : f32 from vector<1xf32>
        %add3A_170 = arith.addf %add3A_167, %squeeze3A_169 : f32
        %slice3A_171 = vector.extract_strided_slice %scan3A_158 {offsets = [4], sizes = [1], strides = [1]} : vector<16xf32> to vector<1xf32>
        %squeeze3A_172 = vector.extract %slice3A_171[0] : f32 from vector<1xf32>
        %add3A_173 = arith.addf %add3A_170, %squeeze3A_172 : f32
        %slice3A_174 = vector.extract_strided_slice %scan3A_158 {offsets = [5], sizes = [1], strides = [1]} : vector<16xf32> to vector<1xf32>
        %squeeze3A_175 = vector.extract %slice3A_174[0] : f32 from vector<1xf32>
        %add3A_176 = arith.addf %add3A_173, %squeeze3A_175 : f32
        %slice3A_177 = vector.extract_strided_slice %scan3A_158 {offsets = [6], sizes = [1], strides = [1]} : vector<16xf32> to vector<1xf32>
        %squeeze3A_178 = vector.extract %slice3A_177[0] : f32 from vector<1xf32>
        %add3A_179 = arith.addf %add3A_176, %squeeze3A_178 : f32
        %slice3A_180 = vector.extract_strided_slice %scan3A_158 {offsets = [7], sizes = [1], strides = [1]} : vector<16xf32> to vector<1xf32>
        %squeeze3A_181 = vector.extract %slice3A_180[0] : f32 from vector<1xf32>
        %add3A_182 = arith.addf %add3A_179, %squeeze3A_181 : f32
        %slice3A_183 = vector.extract_strided_slice %scan3A_158 {offsets = [8], sizes = [1], strides = [1]} : vector<16xf32> to vector<1xf32>
        %squeeze3A_184 = vector.extract %slice3A_183[0] : f32 from vector<1xf32>
        %add3A_185 = arith.addf %add3A_182, %squeeze3A_184 : f32
        %slice3A_186 = vector.extract_strided_slice %scan3A_158 {offsets = [9], sizes = [1], strides = [1]} : vector<16xf32> to vector<1xf32>
        %squeeze3A_187 = vector.extract %slice3A_186[0] : f32 from vector<1xf32>
        %add3A_188 = arith.addf %add3A_185, %squeeze3A_187 : f32
        %slice3A_189 = vector.extract_strided_slice %scan3A_158 {offsets = [10], sizes = [1], strides = [1]} : vector<16xf32> to vector<1xf32>
        %squeeze3A_190 = vector.extract %slice3A_189[0] : f32 from vector<1xf32>
        %add3A_191 = arith.addf %add3A_188, %squeeze3A_190 : f32
        %slice3A_192 = vector.extract_strided_slice %scan3A_158 {offsets = [11], sizes = [1], strides = [1]} : vector<16xf32> to vector<1xf32>
        %squeeze3A_193 = vector.extract %slice3A_192[0] : f32 from vector<1xf32>
        %add3A_194 = arith.addf %add3A_191, %squeeze3A_193 : f32
        %slice3A_195 = vector.extract_strided_slice %scan3A_158 {offsets = [12], sizes = [1], strides = [1]} : vector<16xf32> to vector<1xf32>
        %squeeze3A_196 = vector.extract %slice3A_195[0] : f32 from vector<1xf32>
        %add3A_197 = arith.addf %add3A_194, %squeeze3A_196 : f32
        %slice3A_198 = vector.extract_strided_slice %scan3A_158 {offsets = [13], sizes = [1], strides = [1]} : vector<16xf32> to vector<1xf32>
        %squeeze3A_199 = vector.extract %slice3A_198[0] : f32 from vector<1xf32>
        %add3A_200 = arith.addf %add3A_197, %squeeze3A_199 : f32
        %slice3A_201 = vector.extract_strided_slice %scan3A_158 {offsets = [14], sizes = [1], strides = [1]} : vector<16xf32> to vector<1xf32>
        %squeeze3A_202 = vector.extract %slice3A_201[0] : f32 from vector<1xf32>
        %add3A_203 = arith.addf %add3A_200, %squeeze3A_202 : f32
        %slice3A_204 = vector.extract_strided_slice %scan3A_158 {offsets = [15], sizes = [1], strides = [1]} : vector<16xf32> to vector<1xf32>
        %squeeze3A_205 = vector.extract %slice3A_204[0] : f32 from vector<1xf32>
        %add3A_206 = arith.addf %add3A_203, %squeeze3A_205 : f32
        %eq3A_207 = arith.constant 0.000000e+00 : f32
        %eq3A_208 = arith.cmpf oeq, %add3A_206, %eq3A_207 : f32
        %jit3A_209 = arith.constant 1.000000e+00 : f32
        %select_n3A_210 = arith.select %eq3A_208, %jit3A_209, %add3A_206 : f32
        %broadcast_in_dim3A_211 = arith.constant 1.000000e+00 : f32
        %broadcast_in_dim3A_212 = vector.broadcast %broadcast_in_dim3A_211 : f32 to vector<16xf32>
        %broadcast_in_dim3A_213 = vector.broadcast %select_n3A_210 : f32 to vector<16xf32>
        %div3A = arith.divf %broadcast_in_dim3A_212, %broadcast_in_dim3A_213 : vector<16xf32>
        %scan3A_214 = arith.constant 0 : i32
        %scan3A_215 = arith.constant 0 : i32
        %scan3A_216 = arith.constant 128 : i32
        %scan3A_217 = arith.addi %scan3A_215, %scan3A_216 : i32
        %scan3A_218 = arith.constant 8 : i32
        scf.for %scan3A_220 = %scan3A_215 to %scan3A_217 step %scan3A_218  : i32 {
          %mul3A_221 = arith.constant 16 : i32
          %mul3A_222 = arith.muli %scan3A_220, %mul3A_221 : i32
          %get3A = arith.index_cast %scan3A_101 : i32 to index
          %get3A_223 = arith.index_cast %mul3A_222 : i32 to index
          %get3A_224 = tpu.vector_load %arg5[%get3A, %get3A_223] {strides = array<i32>} : memref<16x2048xf32, #tpu.memory_space<vmem>>, vector<1x16xf32>,
          %get3A_225 = vector.shape_cast %get3A_224 : vector<1x16xf32> to vector<16xf32>
          %mul3A_226 = arith.mulf %get3A_225, %div3A : vector<16xf32>
          %mul3A_227 = arith.constant 16 : i32
          %mul3A_228 = arith.muli %scan3A_220, %mul3A_227 : i32
          %swap3A = arith.index_cast %scan3A_101 : i32 to index
          %swap3A_229 = arith.index_cast %mul3A_228 : i32 to index
          %swap3A_230 = tpu.vector_load %arg5[%swap3A, %swap3A_229] {strides = array<i32>} : memref<16x2048xf32, #tpu.memory_space<vmem>>, vector<1x16xf32>,
          %swap3A_231 = vector.shape_cast %swap3A_230 : vector<1x16xf32> to vector<16xf32>
          %swap3A_232 = vector.shape_cast %mul3A_226 : vector<16xf32> to vector<1x16xf32>
          tpu.vector_store %arg5[%swap3A, %swap3A_229], %swap3A_232 {strides = array<i32>} : memref<16x2048xf32, #tpu.memory_space<vmem>>, vector<1x16xf32>,
          %scan3A_233 = arith.constant 1 : i32
          %scan3A_234 = arith.addi %scan3A_220, %scan3A_233 : i32
          %mul3A_235 = arith.constant 16 : i32
          %mul3A_236 = arith.muli %scan3A_234, %mul3A_235 : i32
          %get3A_237 = arith.index_cast %scan3A_101 : i32 to index
          %get3A_238 = arith.index_cast %mul3A_236 : i32 to index
          %get3A_239 = tpu.vector_load %arg5[%get3A_237, %get3A_238] {strides = array<i32>} : memref<16x2048xf32, #tpu.memory_space<vmem>>, vector<1x16xf32>,
          %get3A_240 = vector.shape_cast %get3A_239 : vector<1x16xf32> to vector<16xf32>
          %mul3A_241 = arith.mulf %get3A_240, %div3A : vector<16xf32>
          %mul3A_242 = arith.constant 16 : i32
          %mul3A_243 = arith.muli %scan3A_234, %mul3A_242 : i32
          %swap3A_244 = arith.index_cast %scan3A_101 : i32 to index
          %swap3A_245 = arith.index_cast %mul3A_243 : i32 to index
          %swap3A_246 = tpu.vector_load %arg5[%swap3A_244, %swap3A_245] {strides = array<i32>} : memref<16x2048xf32, #tpu.memory_space<vmem>>, vector<1x16xf32>,
          %swap3A_247 = vector.shape_cast %swap3A_246 : vector<1x16xf32> to vector<16xf32>
          %swap3A_248 = vector.shape_cast %mul3A_241 : vector<16xf32> to vector<1x16xf32>
          tpu.vector_store %arg5[%swap3A_244, %swap3A_245], %swap3A_248 {strides = array<i32>} : memref<16x2048xf32, #tpu.memory_space<vmem>>, vector<1x16xf32>,
          %scan3A_249 = arith.constant 2 : i32
          %scan3A_250 = arith.addi %scan3A_220, %scan3A_249 : i32
          %mul3A_251 = arith.constant 16 : i32
          %mul3A_252 = arith.muli %scan3A_250, %mul3A_251 : i32
          %get3A_253 = arith.index_cast %scan3A_101 : i32 to index
          %get3A_254 = arith.index_cast %mul3A_252 : i32 to index
          %get3A_255 = tpu.vector_load %arg5[%get3A_253, %get3A_254] {strides = array<i32>} : memref<16x2048xf32, #tpu.memory_space<vmem>>, vector<1x16xf32>,
          %get3A_256 = vector.shape_cast %get3A_255 : vector<1x16xf32> to vector<16xf32>
          %mul3A_257 = arith.mulf %get3A_256, %div3A : vector<16xf32>
          %mul3A_258 = arith.constant 16 : i32
          %mul3A_259 = arith.muli %scan3A_250, %mul3A_258 : i32
          %swap3A_260 = arith.index_cast %scan3A_101 : i32 to index
          %swap3A_261 = arith.index_cast %mul3A_259 : i32 to index
          %swap3A_262 = tpu.vector_load %arg5[%swap3A_260, %swap3A_261] {strides = array<i32>} : memref<16x2048xf32, #tpu.memory_space<vmem>>, vector<1x16xf32>,
          %swap3A_263 = vector.shape_cast %swap3A_262 : vector<1x16xf32> to vector<16xf32>
          %swap3A_264 = vector.shape_cast %mul3A_257 : vector<16xf32> to vector<1x16xf32>
          tpu.vector_store %arg5[%swap3A_260, %swap3A_261], %swap3A_264 {strides = array<i32>} : memref<16x2048xf32, #tpu.memory_space<vmem>>, vector<1x16xf32>,
          %scan3A_265 = arith.constant 3 : i32
          %scan3A_266 = arith.addi %scan3A_220, %scan3A_265 : i32
          %mul3A_267 = arith.constant 16 : i32
          %mul3A_268 = arith.muli %scan3A_266, %mul3A_267 : i32
          %get3A_269 = arith.index_cast %scan3A_101 : i32 to index
          %get3A_270 = arith.index_cast %mul3A_268 : i32 to index
          %get3A_271 = tpu.vector_load %arg5[%get3A_269, %get3A_270] {strides = array<i32>} : memref<16x2048xf32, #tpu.memory_space<vmem>>, vector<1x16xf32>,
          %get3A_272 = vector.shape_cast %get3A_271 : vector<1x16xf32> to vector<16xf32>
          %mul3A_273 = arith.mulf %get3A_272, %div3A : vector<16xf32>
          %mul3A_274 = arith.constant 16 : i32
          %mul3A_275 = arith.muli %scan3A_266, %mul3A_274 : i32
          %swap3A_276 = arith.index_cast %scan3A_101 : i32 to index
          %swap3A_277 = arith.index_cast %mul3A_275 : i32 to index
          %swap3A_278 = tpu.vector_load %arg5[%swap3A_276, %swap3A_277] {strides = array<i32>} : memref<16x2048xf32, #tpu.memory_space<vmem>>, vector<1x16xf32>,
          %swap3A_279 = vector.shape_cast %swap3A_278 : vector<1x16xf32> to vector<16xf32>
          %swap3A_280 = vector.shape_cast %mul3A_273 : vector<16xf32> to vector<1x16xf32>
          tpu.vector_store %arg5[%swap3A_276, %swap3A_277], %swap3A_280 {strides = array<i32>} : memref<16x2048xf32, #tpu.memory_space<vmem>>, vector<1x16xf32>,
          %scan3A_281 = arith.constant 4 : i32
          %scan3A_282 = arith.addi %scan3A_220, %scan3A_281 : i32
          %mul3A_283 = arith.constant 16 : i32
          %mul3A_284 = arith.muli %scan3A_282, %mul3A_283 : i32
          %get3A_285 = arith.index_cast %scan3A_101 : i32 to index
          %get3A_286 = arith.index_cast %mul3A_284 : i32 to index
          %get3A_287 = tpu.vector_load %arg5[%get3A_285, %get3A_286] {strides = array<i32>} : memref<16x2048xf32, #tpu.memory_space<vmem>>, vector<1x16xf32>,
          %get3A_288 = vector.shape_cast %get3A_287 : vector<1x16xf32> to vector<16xf32>
          %mul3A_289 = arith.mulf %get3A_288, %div3A : vector<16xf32>
          %mul3A_290 = arith.constant 16 : i32
          %mul3A_291 = arith.muli %scan3A_282, %mul3A_290 : i32
          %swap3A_292 = arith.index_cast %scan3A_101 : i32 to index
          %swap3A_293 = arith.index_cast %mul3A_291 : i32 to index
          %swap3A_294 = tpu.vector_load %arg5[%swap3A_292, %swap3A_293] {strides = array<i32>} : memref<16x2048xf32, #tpu.memory_space<vmem>>, vector<1x16xf32>,
          %swap3A_295 = vector.shape_cast %swap3A_294 : vector<1x16xf32> to vector<16xf32>
          %swap3A_296 = vector.shape_cast %mul3A_289 : vector<16xf32> to vector<1x16xf32>
          tpu.vector_store %arg5[%swap3A_292, %swap3A_293], %swap3A_296 {strides = array<i32>} : memref<16x2048xf32, #tpu.memory_space<vmem>>, vector<1x16xf32>,
          %scan3A_297 = arith.constant 5 : i32
          %scan3A_298 = arith.addi %scan3A_220, %scan3A_297 : i32
          %mul3A_299 = arith.constant 16 : i32
          %mul3A_300 = arith.muli %scan3A_298, %mul3A_299 : i32
          %get3A_301 = arith.index_cast %scan3A_101 : i32 to index
          %get3A_302 = arith.index_cast %mul3A_300 : i32 to index
          %get3A_303 = tpu.vector_load %arg5[%get3A_301, %get3A_302] {strides = array<i32>} : memref<16x2048xf32, #tpu.memory_space<vmem>>, vector<1x16xf32>,
          %get3A_304 = vector.shape_cast %get3A_303 : vector<1x16xf32> to vector<16xf32>
          %mul3A_305 = arith.mulf %get3A_304, %div3A : vector<16xf32>
          %mul3A_306 = arith.constant 16 : i32
          %mul3A_307 = arith.muli %scan3A_298, %mul3A_306 : i32
          %swap3A_308 = arith.index_cast %scan3A_101 : i32 to index
          %swap3A_309 = arith.index_cast %mul3A_307 : i32 to index
          %swap3A_310 = tpu.vector_load %arg5[%swap3A_308, %swap3A_309] {strides = array<i32>} : memref<16x2048xf32, #tpu.memory_space<vmem>>, vector<1x16xf32>,
          %swap3A_311 = vector.shape_cast %swap3A_310 : vector<1x16xf32> to vector<16xf32>
          %swap3A_312 = vector.shape_cast %mul3A_305 : vector<16xf32> to vector<1x16xf32>
          tpu.vector_store %arg5[%swap3A_308, %swap3A_309], %swap3A_312 {strides = array<i32>} : memref<16x2048xf32, #tpu.memory_space<vmem>>, vector<1x16xf32>,
          %scan3A_313 = arith.constant 6 : i32
          %scan3A_314 = arith.addi %scan3A_220, %scan3A_313 : i32
          %mul3A_315 = arith.constant 16 : i32
          %mul3A_316 = arith.muli %scan3A_314, %mul3A_315 : i32
          %get3A_317 = arith.index_cast %scan3A_101 : i32 to index
          %get3A_318 = arith.index_cast %mul3A_316 : i32 to index
          %get3A_319 = tpu.vector_load %arg5[%get3A_317, %get3A_318] {strides = array<i32>} : memref<16x2048xf32, #tpu.memory_space<vmem>>, vector<1x16xf32>,
          %get3A_320 = vector.shape_cast %get3A_319 : vector<1x16xf32> to vector<16xf32>
          %mul3A_321 = arith.mulf %get3A_320, %div3A : vector<16xf32>
          %mul3A_322 = arith.constant 16 : i32
          %mul3A_323 = arith.muli %scan3A_314, %mul3A_322 : i32
          %swap3A_324 = arith.index_cast %scan3A_101 : i32 to index
          %swap3A_325 = arith.index_cast %mul3A_323 : i32 to index
          %swap3A_326 = tpu.vector_load %arg5[%swap3A_324, %swap3A_325] {strides = array<i32>} : memref<16x2048xf32, #tpu.memory_space<vmem>>, vector<1x16xf32>,
          %swap3A_327 = vector.shape_cast %swap3A_326 : vector<1x16xf32> to vector<16xf32>
          %swap3A_328 = vector.shape_cast %mul3A_321 : vector<16xf32> to vector<1x16xf32>
          tpu.vector_store %arg5[%swap3A_324, %swap3A_325], %swap3A_328 {strides = array<i32>} : memref<16x2048xf32, #tpu.memory_space<vmem>>, vector<1x16xf32>,
          %scan3A_329 = arith.constant 7 : i32
          %scan3A_330 = arith.addi %scan3A_220, %scan3A_329 : i32
          %mul3A_331 = arith.constant 16 : i32
          %mul3A_332 = arith.muli %scan3A_330, %mul3A_331 : i32
          %get3A_333 = arith.index_cast %scan3A_101 : i32 to index
          %get3A_334 = arith.index_cast %mul3A_332 : i32 to index
          %get3A_335 = tpu.vector_load %arg5[%get3A_333, %get3A_334] {strides = array<i32>} : memref<16x2048xf32, #tpu.memory_space<vmem>>, vector<1x16xf32>,
          %get3A_336 = vector.shape_cast %get3A_335 : vector<1x16xf32> to vector<16xf32>
          %mul3A_337 = arith.mulf %get3A_336, %div3A : vector<16xf32>
          %mul3A_338 = arith.constant 16 : i32
          %mul3A_339 = arith.muli %scan3A_330, %mul3A_338 : i32
          %swap3A_340 = arith.index_cast %scan3A_101 : i32 to index
          %swap3A_341 = arith.index_cast %mul3A_339 : i32 to index
          %swap3A_342 = tpu.vector_load %arg5[%swap3A_340, %swap3A_341] {strides = array<i32>} : memref<16x2048xf32, #tpu.memory_space<vmem>>, vector<1x16xf32>,
          %swap3A_343 = vector.shape_cast %swap3A_342 : vector<1x16xf32> to vector<16xf32>
          %swap3A_344 = vector.shape_cast %mul3A_337 : vector<16xf32> to vector<1x16xf32>
          tpu.vector_store %arg5[%swap3A_340, %swap3A_341], %swap3A_344 {strides = array<i32>} : memref<16x2048xf32, #tpu.memory_space<vmem>>, vector<1x16xf32>,
        }
        %scan3A_219 = arith.constant 128 : i32
      }
      %scan3A_63 = arith.constant 16 : i32
      %mul3A_64 = arith.constant 16 : i32
      %mul3A_65 = arith.muli %mul3A_31, %mul3A_64 : i32
      %add3A_66 = arith.addi %mul3A_2, %mul3A_65 : i32
      %dma_start3A_67 = arith.constant 0 : i32
      %dma_start3A_68 = tpu.memref_slice %arg4[%add3A_66, %dma_start3A_67] : memref<24576x2048xf32, #tpu.memory_space<hbm>> -> memref<16x2048xf32, #tpu.memory_space<hbm>>
      %dma_start3A_69 = arith.constant 0 : i32
      %dma_start3A_70 = tpu.memref_slice %arg4[%add3A_66, %dma_start3A_69] : memref<24576x2048xf32, #tpu.memory_space<hbm>> -> memref<16x2048xf32, #tpu.memory_space<hbm>>
      tpu.enqueue_dma source(%arg5 : memref<16x2048xf32, #tpu.memory_space<vmem>>) target(%dma_start3A_70 : memref<16x2048xf32, #tpu.memory_space<hbm>>) target_semaphore(%arg13 : memref<!tpu.dma_semaphore, #tpu.memory_space<semaphore_mem>>)
      %add3A_71 = arith.constant 1 : i32
      %add3A_72 = arith.addi %add3A_33, %add3A_71 : i32
      %lt3A = arith.constant 48 : i32
      %lt3A_73 = arith.cmpi slt, %add3A_72, %lt3A : i32
      %convert_element_type3A_74 = arith.extui %lt3A_73 : i1 to i32
      %cond3A_75 = arith.constant 0 : i32
      %cond3A_76 = arith.cmpi ne, %convert_element_type3A_74, %cond3A_75 : i32
      scf.if %cond3A_76 {
        %mul3A_101 = arith.constant 16 : i32
        %mul3A_102 = arith.muli %mul3A_31, %mul3A_101 : i32
        %add3A_103 = arith.addi %mul3A_2, %mul3A_102 : i32
        %dma_wait3A_104 = arith.constant 0 : i32
        %dma_wait3A_105 = tpu.memref_slice %arg4[%add3A_103, %dma_wait3A_104] : memref<24576x2048xf32, #tpu.memory_space<hbm>> -> memref<16x2048xf32, #tpu.memory_space<hbm>>
        %dma_wait3A_106 = arith.constant 0 : i32
        %dma_wait3A_107 = tpu.memref_slice %arg4[%add3A_103, %dma_wait3A_106] : memref<24576x2048xf32, #tpu.memory_space<hbm>> -> memref<16x2048xf32, #tpu.memory_space<hbm>>
        tpu.wait_dma2 semaphore(%arg13 : memref<!tpu.dma_semaphore, #tpu.memory_space<semaphore_mem>>) src(%arg5 : memref<16x2048xf32, #tpu.memory_space<vmem>>) dst(%dma_wait3A_107 : memref<16x2048xf32, #tpu.memory_space<hbm>>)
        %add3A_108 = arith.constant 1 : i32
        %add3A_109 = arith.addi %add3A_33, %add3A_108 : i32
        %mul3A_110 = arith.constant 16 : i32
        %mul3A_111 = arith.muli %add3A_109, %mul3A_110 : i32
        %add3A_112 = arith.addi %mul3A_2, %mul3A_111 : i32
        %dma_start3A_113 = arith.constant 0 : i32
        %dma_start3A_114 = tpu.memref_slice %arg2[%add3A_112, %dma_start3A_113] : memref<24576x2048xf32, #tpu.memory_space<hbm>> -> memref<16x2048xf32, #tpu.memory_space<hbm>>
        %dma_start3A_115 = arith.constant 0 : i32
        %dma_start3A_116 = tpu.memref_slice %arg2[%add3A_112, %dma_start3A_115] : memref<24576x2048xf32, #tpu.memory_space<hbm>> -> memref<16x2048xf32, #tpu.memory_space<hbm>>
        tpu.enqueue_dma source(%dma_start3A_116 : memref<16x2048xf32, #tpu.memory_space<hbm>>) target(%arg5 : memref<16x2048xf32, #tpu.memory_space<vmem>>) target_semaphore(%arg9 : memref<!tpu.dma_semaphore, #tpu.memory_space<semaphore_mem>>)
        %dma_start3A_117 = arith.constant 0 : i32
        %dma_start3A_118 = tpu.memref_slice %arg3[%add3A_112, %dma_start3A_117] : memref<24576x2048xi32, #tpu.memory_space<hbm>> -> memref<16x2048xi32, #tpu.memory_space<hbm>>
        %dma_start3A_119 = arith.constant 0 : i32
        %dma_start3A_120 = tpu.memref_slice %arg3[%add3A_112, %dma_start3A_119] : memref<24576x2048xi32, #tpu.memory_space<hbm>> -> memref<16x2048xi32, #tpu.memory_space<hbm>>
        tpu.enqueue_dma source(%dma_start3A_120 : memref<16x2048xi32, #tpu.memory_space<hbm>>) target(%arg6 : memref<16x2048xi32, #tpu.memory_space<vmem>>) target_semaphore(%arg10 : memref<!tpu.dma_semaphore, #tpu.memory_space<semaphore_mem>>)
      } else {
      }
      %mul3A_77 = arith.constant 16 : i32
      %mul3A_78 = arith.muli %add3A_33, %mul3A_77 : i32
      %add3A_79 = arith.addi %mul3A_2, %mul3A_78 : i32
      %dma_wait3A_80 = arith.constant 0 : i32
      %dma_wait3A_81 = tpu.memref_slice %arg2[%add3A_79, %dma_wait3A_80] : memref<24576x2048xf32, #tpu.memory_space<hbm>> -> memref<16x2048xf32, #tpu.memory_space<hbm>>
      %dma_wait3A_82 = arith.constant 0 : i32
      %dma_wait3A_83 = tpu.memref_slice %arg2[%add3A_79, %dma_wait3A_82] : memref<24576x2048xf32, #tpu.memory_space<hbm>> -> memref<16x2048xf32, #tpu.memory_space<hbm>>
      tpu.wait_dma2 semaphore(%arg11 : memref<!tpu.dma_semaphore, #tpu.memory_space<semaphore_mem>>) src(%dma_wait3A_83 : memref<16x2048xf32, #tpu.memory_space<hbm>>) dst(%arg7 : memref<16x2048xf32, #tpu.memory_space<vmem>>)
      %dma_wait3A_84 = arith.constant 0 : i32
      %dma_wait3A_85 = tpu.memref_slice %arg3[%add3A_79, %dma_wait3A_84] : memref<24576x2048xi32, #tpu.memory_space<hbm>> -> memref<16x2048xi32, #tpu.memory_space<hbm>>
      %dma_wait3A_86 = arith.constant 0 : i32
      %dma_wait3A_87 = tpu.memref_slice %arg3[%add3A_79, %dma_wait3A_86] : memref<24576x2048xi32, #tpu.memory_space<hbm>> -> memref<16x2048xi32, #tpu.memory_space<hbm>>
      tpu.wait_dma2 semaphore(%arg12 : memref<!tpu.dma_semaphore, #tpu.memory_space<semaphore_mem>>) src(%dma_wait3A_87 : memref<16x2048xi32, #tpu.memory_space<hbm>>) dst(%arg8 : memref<16x2048xi32, #tpu.memory_space<vmem>>)
      %scan3A_88 = arith.constant 0 : i32
      %scan3A_89 = arith.constant 0 : i32
      %scan3A_90 = arith.constant 16 : i32
      %scan3A_91 = arith.addi %scan3A_89, %scan3A_90 : i32
      %scan3A_92 = arith.constant 1 : i32
      scf.for %scan3A_101 = %scan3A_89 to %scan3A_91 step %scan3A_92  : i32 {
        %broadcast_in_dim3A = vector.broadcast %scan3A_12 : f32 to vector<16xf32>
        %scan3A_102 = arith.constant 0 : i32
        %scan3A_103 = arith.constant 128 : i32
        %scan3A_104 = arith.addi %scan3A_102, %scan3A_103 : i32
        %scan3A_105 = arith.constant 8 : i32
        %scan3A_106 = scf.for %scan3A_220 = %scan3A_102 to %scan3A_104 step %scan3A_105 iter_args(%scan3A_221 = %broadcast_in_dim3A) -> (vector<16xf32>)  : i32 {
          %mul3A_222 = arith.constant 16 : i32
          %mul3A_223 = arith.muli %scan3A_220, %mul3A_222 : i32
          %get3A = arith.index_cast %scan3A_101 : i32 to index
          %get3A_224 = arith.index_cast %mul3A_223 : i32 to index
          %get3A_225 = tpu.vector_load %arg7[%get3A, %get3A_224] {strides = array<i32>} : memref<16x2048xf32, #tpu.memory_space<vmem>>, vector<1x16xf32>,
          %get3A_226 = vector.shape_cast %get3A_225 : vector<1x16xf32> to vector<16xf32>
          %mul3A_227 = arith.constant 16 : i32
          %mul3A_228 = arith.muli %scan3A_220, %mul3A_227 : i32
          %get3A_229 = arith.index_cast %scan3A_101 : i32 to index
          %get3A_230 = arith.index_cast %mul3A_228 : i32 to index
          %get3A_231 = tpu.vector_load %arg8[%get3A_229, %get3A_230] {strides = array<i32>} : memref<16x2048xi32, #tpu.memory_space<vmem>>, vector<1x16xi32>,
          %get3A_232 = vector.shape_cast %get3A_231 : vector<1x16xi32> to vector<16xi32>
          %ne3A = arith.constant 0 : i32
          %ne3A_233 = vector.broadcast %ne3A : i32 to vector<16xi32>
          %ne3A_234 = arith.cmpi ne, %get3A_232, %ne3A_233 : vector<16xi32>
          %ne3A_235 = arith.constant 0.000000e+00 : f32
          %ne3A_236 = vector.broadcast %ne3A_235 : f32 to vector<16xf32>
          %ne3A_237 = arith.cmpf one, %get3A_226, %ne3A_236 : vector<16xf32>
          %and3A = arith.andi %ne3A_234, %ne3A_237 : vector<16xi1>
          %broadcast_in_dim3A_238 = vector.broadcast %scan3A_12 : f32 to vector<16xf32>
          %select_n3A_239 = arith.select %and3A, %get3A_226, %broadcast_in_dim3A_238 : vector<16xi1>, vector<16xf32>
          %mul3A_240 = arith.constant 16 : i32
          %mul3A_241 = arith.muli %scan3A_220, %mul3A_240 : i32
          %swap3A = arith.index_cast %scan3A_101 : i32 to index
          %swap3A_242 = arith.index_cast %mul3A_241 : i32 to index
          %swap3A_243 = tpu.vector_load %arg7[%swap3A, %swap3A_242] {strides = array<i32>} : memref<16x2048xf32, #tpu.memory_space<vmem>>, vector<1x16xf32>,
          %swap3A_244 = vector.shape_cast %swap3A_243 : vector<1x16xf32> to vector<16xf32>
          %swap3A_245 = vector.shape_cast %select_n3A_239 : vector<16xf32> to vector<1x16xf32>
          tpu.vector_store %arg7[%swap3A, %swap3A_242], %swap3A_245 {strides = array<i32>} : memref<16x2048xf32, #tpu.memory_space<vmem>>, vector<1x16xf32>,
          %max3A_246 = arith.maximumf %scan3A_221, %select_n3A_239 : vector<16xf32>
          %scan3A_247 = arith.constant 1 : i32
          %scan3A_248 = arith.addi %scan3A_220, %scan3A_247 : i32
          %mul3A_249 = arith.constant 16 : i32
          %mul3A_250 = arith.muli %scan3A_248, %mul3A_249 : i32
          %get3A_251 = arith.index_cast %scan3A_101 : i32 to index
          %get3A_252 = arith.index_cast %mul3A_250 : i32 to index
          %get3A_253 = tpu.vector_load %arg7[%get3A_251, %get3A_252] {strides = array<i32>} : memref<16x2048xf32, #tpu.memory_space<vmem>>, vector<1x16xf32>,
          %get3A_254 = vector.shape_cast %get3A_253 : vector<1x16xf32> to vector<16xf32>
          %mul3A_255 = arith.constant 16 : i32
          %mul3A_256 = arith.muli %scan3A_248, %mul3A_255 : i32
          %get3A_257 = arith.index_cast %scan3A_101 : i32 to index
          %get3A_258 = arith.index_cast %mul3A_256 : i32 to index
          %get3A_259 = tpu.vector_load %arg8[%get3A_257, %get3A_258] {strides = array<i32>} : memref<16x2048xi32, #tpu.memory_space<vmem>>, vector<1x16xi32>,
          %get3A_260 = vector.shape_cast %get3A_259 : vector<1x16xi32> to vector<16xi32>
          %ne3A_261 = arith.constant 0 : i32
          %ne3A_262 = vector.broadcast %ne3A_261 : i32 to vector<16xi32>
          %ne3A_263 = arith.cmpi ne, %get3A_260, %ne3A_262 : vector<16xi32>
          %ne3A_264 = arith.constant 0.000000e+00 : f32
          %ne3A_265 = vector.broadcast %ne3A_264 : f32 to vector<16xf32>
          %ne3A_266 = arith.cmpf one, %get3A_254, %ne3A_265 : vector<16xf32>
          %and3A_267 = arith.andi %ne3A_263, %ne3A_266 : vector<16xi1>
          %broadcast_in_dim3A_268 = vector.broadcast %scan3A_12 : f32 to vector<16xf32>
          %select_n3A_269 = arith.select %and3A_267, %get3A_254, %broadcast_in_dim3A_268 : vector<16xi1>, vector<16xf32>
          %mul3A_270 = arith.constant 16 : i32
          %mul3A_271 = arith.muli %scan3A_248, %mul3A_270 : i32
          %swap3A_272 = arith.index_cast %scan3A_101 : i32 to index
          %swap3A_273 = arith.index_cast %mul3A_271 : i32 to index
          %swap3A_274 = tpu.vector_load %arg7[%swap3A_272, %swap3A_273] {strides = array<i32>} : memref<16x2048xf32, #tpu.memory_space<vmem>>, vector<1x16xf32>,
          %swap3A_275 = vector.shape_cast %swap3A_274 : vector<1x16xf32> to vector<16xf32>
          %swap3A_276 = vector.shape_cast %select_n3A_269 : vector<16xf32> to vector<1x16xf32>
          tpu.vector_store %arg7[%swap3A_272, %swap3A_273], %swap3A_276 {strides = array<i32>} : memref<16x2048xf32, #tpu.memory_space<vmem>>, vector<1x16xf32>,
          %max3A_277 = arith.maximumf %max3A_246, %select_n3A_269 : vector<16xf32>
          %scan3A_278 = arith.constant 2 : i32
          %scan3A_279 = arith.addi %scan3A_220, %scan3A_278 : i32
          %mul3A_280 = arith.constant 16 : i32
          %mul3A_281 = arith.muli %scan3A_279, %mul3A_280 : i32
          %get3A_282 = arith.index_cast %scan3A_101 : i32 to index
          %get3A_283 = arith.index_cast %mul3A_281 : i32 to index
          %get3A_284 = tpu.vector_load %arg7[%get3A_282, %get3A_283] {strides = array<i32>} : memref<16x2048xf32, #tpu.memory_space<vmem>>, vector<1x16xf32>,
          %get3A_285 = vector.shape_cast %get3A_284 : vector<1x16xf32> to vector<16xf32>
          %mul3A_286 = arith.constant 16 : i32
          %mul3A_287 = arith.muli %scan3A_279, %mul3A_286 : i32
          %get3A_288 = arith.index_cast %scan3A_101 : i32 to index
          %get3A_289 = arith.index_cast %mul3A_287 : i32 to index
          %get3A_290 = tpu.vector_load %arg8[%get3A_288, %get3A_289] {strides = array<i32>} : memref<16x2048xi32, #tpu.memory_space<vmem>>, vector<1x16xi32>,
          %get3A_291 = vector.shape_cast %get3A_290 : vector<1x16xi32> to vector<16xi32>
          %ne3A_292 = arith.constant 0 : i32
          %ne3A_293 = vector.broadcast %ne3A_292 : i32 to vector<16xi32>
          %ne3A_294 = arith.cmpi ne, %get3A_291, %ne3A_293 : vector<16xi32>
          %ne3A_295 = arith.constant 0.000000e+00 : f32
          %ne3A_296 = vector.broadcast %ne3A_295 : f32 to vector<16xf32>
          %ne3A_297 = arith.cmpf one, %get3A_285, %ne3A_296 : vector<16xf32>
          %and3A_298 = arith.andi %ne3A_294, %ne3A_297 : vector<16xi1>
          %broadcast_in_dim3A_299 = vector.broadcast %scan3A_12 : f32 to vector<16xf32>
          %select_n3A_300 = arith.select %and3A_298, %get3A_285, %broadcast_in_dim3A_299 : vector<16xi1>, vector<16xf32>
          %mul3A_301 = arith.constant 16 : i32
          %mul3A_302 = arith.muli %scan3A_279, %mul3A_301 : i32
          %swap3A_303 = arith.index_cast %scan3A_101 : i32 to index
          %swap3A_304 = arith.index_cast %mul3A_302 : i32 to index
          %swap3A_305 = tpu.vector_load %arg7[%swap3A_303, %swap3A_304] {strides = array<i32>} : memref<16x2048xf32, #tpu.memory_space<vmem>>, vector<1x16xf32>,
          %swap3A_306 = vector.shape_cast %swap3A_305 : vector<1x16xf32> to vector<16xf32>
          %swap3A_307 = vector.shape_cast %select_n3A_300 : vector<16xf32> to vector<1x16xf32>
          tpu.vector_store %arg7[%swap3A_303, %swap3A_304], %swap3A_307 {strides = array<i32>} : memref<16x2048xf32, #tpu.memory_space<vmem>>, vector<1x16xf32>,
          %max3A_308 = arith.maximumf %max3A_277, %select_n3A_300 : vector<16xf32>
          %scan3A_309 = arith.constant 3 : i32
          %scan3A_310 = arith.addi %scan3A_220, %scan3A_309 : i32
          %mul3A_311 = arith.constant 16 : i32
          %mul3A_312 = arith.muli %scan3A_310, %mul3A_311 : i32
          %get3A_313 = arith.index_cast %scan3A_101 : i32 to index
          %get3A_314 = arith.index_cast %mul3A_312 : i32 to index
          %get3A_315 = tpu.vector_load %arg7[%get3A_313, %get3A_314] {strides = array<i32>} : memref<16x2048xf32, #tpu.memory_space<vmem>>, vector<1x16xf32>,
          %get3A_316 = vector.shape_cast %get3A_315 : vector<1x16xf32> to vector<16xf32>
          %mul3A_317 = arith.constant 16 : i32
          %mul3A_318 = arith.muli %scan3A_310, %mul3A_317 : i32
          %get3A_319 = arith.index_cast %scan3A_101 : i32 to index
          %get3A_320 = arith.index_cast %mul3A_318 : i32 to index
          %get3A_321 = tpu.vector_load %arg8[%get3A_319, %get3A_320] {strides = array<i32>} : memref<16x2048xi32, #tpu.memory_space<vmem>>, vector<1x16xi32>,
          %get3A_322 = vector.shape_cast %get3A_321 : vector<1x16xi32> to vector<16xi32>
          %ne3A_323 = arith.constant 0 : i32
          %ne3A_324 = vector.broadcast %ne3A_323 : i32 to vector<16xi32>
          %ne3A_325 = arith.cmpi ne, %get3A_322, %ne3A_324 : vector<16xi32>
          %ne3A_326 = arith.constant 0.000000e+00 : f32
          %ne3A_327 = vector.broadcast %ne3A_326 : f32 to vector<16xf32>
          %ne3A_328 = arith.cmpf one, %get3A_316, %ne3A_327 : vector<16xf32>
          %and3A_329 = arith.andi %ne3A_325, %ne3A_328 : vector<16xi1>
          %broadcast_in_dim3A_330 = vector.broadcast %scan3A_12 : f32 to vector<16xf32>
          %select_n3A_331 = arith.select %and3A_329, %get3A_316, %broadcast_in_dim3A_330 : vector<16xi1>, vector<16xf32>
          %mul3A_332 = arith.constant 16 : i32
          %mul3A_333 = arith.muli %scan3A_310, %mul3A_332 : i32
          %swap3A_334 = arith.index_cast %scan3A_101 : i32 to index
          %swap3A_335 = arith.index_cast %mul3A_333 : i32 to index
          %swap3A_336 = tpu.vector_load %arg7[%swap3A_334, %swap3A_335] {strides = array<i32>} : memref<16x2048xf32, #tpu.memory_space<vmem>>, vector<1x16xf32>,
          %swap3A_337 = vector.shape_cast %swap3A_336 : vector<1x16xf32> to vector<16xf32>
          %swap3A_338 = vector.shape_cast %select_n3A_331 : vector<16xf32> to vector<1x16xf32>
          tpu.vector_store %arg7[%swap3A_334, %swap3A_335], %swap3A_338 {strides = array<i32>} : memref<16x2048xf32, #tpu.memory_space<vmem>>, vector<1x16xf32>,
          %max3A_339 = arith.maximumf %max3A_308, %select_n3A_331 : vector<16xf32>
          %scan3A_340 = arith.constant 4 : i32
          %scan3A_341 = arith.addi %scan3A_220, %scan3A_340 : i32
          %mul3A_342 = arith.constant 16 : i32
          %mul3A_343 = arith.muli %scan3A_341, %mul3A_342 : i32
          %get3A_344 = arith.index_cast %scan3A_101 : i32 to index
          %get3A_345 = arith.index_cast %mul3A_343 : i32 to index
          %get3A_346 = tpu.vector_load %arg7[%get3A_344, %get3A_345] {strides = array<i32>} : memref<16x2048xf32, #tpu.memory_space<vmem>>, vector<1x16xf32>,
          %get3A_347 = vector.shape_cast %get3A_346 : vector<1x16xf32> to vector<16xf32>
          %mul3A_348 = arith.constant 16 : i32
          %mul3A_349 = arith.muli %scan3A_341, %mul3A_348 : i32
          %get3A_350 = arith.index_cast %scan3A_101 : i32 to index
          %get3A_351 = arith.index_cast %mul3A_349 : i32 to index
          %get3A_352 = tpu.vector_load %arg8[%get3A_350, %get3A_351] {strides = array<i32>} : memref<16x2048xi32, #tpu.memory_space<vmem>>, vector<1x16xi32>,
          %get3A_353 = vector.shape_cast %get3A_352 : vector<1x16xi32> to vector<16xi32>
          %ne3A_354 = arith.constant 0 : i32
          %ne3A_355 = vector.broadcast %ne3A_354 : i32 to vector<16xi32>
          %ne3A_356 = arith.cmpi ne, %get3A_353, %ne3A_355 : vector<16xi32>
          %ne3A_357 = arith.constant 0.000000e+00 : f32
          %ne3A_358 = vector.broadcast %ne3A_357 : f32 to vector<16xf32>
          %ne3A_359 = arith.cmpf one, %get3A_347, %ne3A_358 : vector<16xf32>
          %and3A_360 = arith.andi %ne3A_356, %ne3A_359 : vector<16xi1>
          %broadcast_in_dim3A_361 = vector.broadcast %scan3A_12 : f32 to vector<16xf32>
          %select_n3A_362 = arith.select %and3A_360, %get3A_347, %broadcast_in_dim3A_361 : vector<16xi1>, vector<16xf32>
          %mul3A_363 = arith.constant 16 : i32
          %mul3A_364 = arith.muli %scan3A_341, %mul3A_363 : i32
          %swap3A_365 = arith.index_cast %scan3A_101 : i32 to index
          %swap3A_366 = arith.index_cast %mul3A_364 : i32 to index
          %swap3A_367 = tpu.vector_load %arg7[%swap3A_365, %swap3A_366] {strides = array<i32>} : memref<16x2048xf32, #tpu.memory_space<vmem>>, vector<1x16xf32>,
          %swap3A_368 = vector.shape_cast %swap3A_367 : vector<1x16xf32> to vector<16xf32>
          %swap3A_369 = vector.shape_cast %select_n3A_362 : vector<16xf32> to vector<1x16xf32>
          tpu.vector_store %arg7[%swap3A_365, %swap3A_366], %swap3A_369 {strides = array<i32>} : memref<16x2048xf32, #tpu.memory_space<vmem>>, vector<1x16xf32>,
          %max3A_370 = arith.maximumf %max3A_339, %select_n3A_362 : vector<16xf32>
          %scan3A_371 = arith.constant 5 : i32
          %scan3A_372 = arith.addi %scan3A_220, %scan3A_371 : i32
          %mul3A_373 = arith.constant 16 : i32
          %mul3A_374 = arith.muli %scan3A_372, %mul3A_373 : i32
          %get3A_375 = arith.index_cast %scan3A_101 : i32 to index
          %get3A_376 = arith.index_cast %mul3A_374 : i32 to index
          %get3A_377 = tpu.vector_load %arg7[%get3A_375, %get3A_376] {strides = array<i32>} : memref<16x2048xf32, #tpu.memory_space<vmem>>, vector<1x16xf32>,
          %get3A_378 = vector.shape_cast %get3A_377 : vector<1x16xf32> to vector<16xf32>
          %mul3A_379 = arith.constant 16 : i32
          %mul3A_380 = arith.muli %scan3A_372, %mul3A_379 : i32
          %get3A_381 = arith.index_cast %scan3A_101 : i32 to index
          %get3A_382 = arith.index_cast %mul3A_380 : i32 to index
          %get3A_383 = tpu.vector_load %arg8[%get3A_381, %get3A_382] {strides = array<i32>} : memref<16x2048xi32, #tpu.memory_space<vmem>>, vector<1x16xi32>,
          %get3A_384 = vector.shape_cast %get3A_383 : vector<1x16xi32> to vector<16xi32>
          %ne3A_385 = arith.constant 0 : i32
          %ne3A_386 = vector.broadcast %ne3A_385 : i32 to vector<16xi32>
          %ne3A_387 = arith.cmpi ne, %get3A_384, %ne3A_386 : vector<16xi32>
          %ne3A_388 = arith.constant 0.000000e+00 : f32
          %ne3A_389 = vector.broadcast %ne3A_388 : f32 to vector<16xf32>
          %ne3A_390 = arith.cmpf one, %get3A_378, %ne3A_389 : vector<16xf32>
          %and3A_391 = arith.andi %ne3A_387, %ne3A_390 : vector<16xi1>
          %broadcast_in_dim3A_392 = vector.broadcast %scan3A_12 : f32 to vector<16xf32>
          %select_n3A_393 = arith.select %and3A_391, %get3A_378, %broadcast_in_dim3A_392 : vector<16xi1>, vector<16xf32>
          %mul3A_394 = arith.constant 16 : i32
          %mul3A_395 = arith.muli %scan3A_372, %mul3A_394 : i32
          %swap3A_396 = arith.index_cast %scan3A_101 : i32 to index
          %swap3A_397 = arith.index_cast %mul3A_395 : i32 to index
          %swap3A_398 = tpu.vector_load %arg7[%swap3A_396, %swap3A_397] {strides = array<i32>} : memref<16x2048xf32, #tpu.memory_space<vmem>>, vector<1x16xf32>,
          %swap3A_399 = vector.shape_cast %swap3A_398 : vector<1x16xf32> to vector<16xf32>
          %swap3A_400 = vector.shape_cast %select_n3A_393 : vector<16xf32> to vector<1x16xf32>
          tpu.vector_store %arg7[%swap3A_396, %swap3A_397], %swap3A_400 {strides = array<i32>} : memref<16x2048xf32, #tpu.memory_space<vmem>>, vector<1x16xf32>,
          %max3A_401 = arith.maximumf %max3A_370, %select_n3A_393 : vector<16xf32>
          %scan3A_402 = arith.constant 6 : i32
          %scan3A_403 = arith.addi %scan3A_220, %scan3A_402 : i32
          %mul3A_404 = arith.constant 16 : i32
          %mul3A_405 = arith.muli %scan3A_403, %mul3A_404 : i32
          %get3A_406 = arith.index_cast %scan3A_101 : i32 to index
          %get3A_407 = arith.index_cast %mul3A_405 : i32 to index
          %get3A_408 = tpu.vector_load %arg7[%get3A_406, %get3A_407] {strides = array<i32>} : memref<16x2048xf32, #tpu.memory_space<vmem>>, vector<1x16xf32>,
          %get3A_409 = vector.shape_cast %get3A_408 : vector<1x16xf32> to vector<16xf32>
          %mul3A_410 = arith.constant 16 : i32
          %mul3A_411 = arith.muli %scan3A_403, %mul3A_410 : i32
          %get3A_412 = arith.index_cast %scan3A_101 : i32 to index
          %get3A_413 = arith.index_cast %mul3A_411 : i32 to index
          %get3A_414 = tpu.vector_load %arg8[%get3A_412, %get3A_413] {strides = array<i32>} : memref<16x2048xi32, #tpu.memory_space<vmem>>, vector<1x16xi32>,
          %get3A_415 = vector.shape_cast %get3A_414 : vector<1x16xi32> to vector<16xi32>
          %ne3A_416 = arith.constant 0 : i32
          %ne3A_417 = vector.broadcast %ne3A_416 : i32 to vector<16xi32>
          %ne3A_418 = arith.cmpi ne, %get3A_415, %ne3A_417 : vector<16xi32>
          %ne3A_419 = arith.constant 0.000000e+00 : f32
          %ne3A_420 = vector.broadcast %ne3A_419 : f32 to vector<16xf32>
          %ne3A_421 = arith.cmpf one, %get3A_409, %ne3A_420 : vector<16xf32>
          %and3A_422 = arith.andi %ne3A_418, %ne3A_421 : vector<16xi1>
          %broadcast_in_dim3A_423 = vector.broadcast %scan3A_12 : f32 to vector<16xf32>
          %select_n3A_424 = arith.select %and3A_422, %get3A_409, %broadcast_in_dim3A_423 : vector<16xi1>, vector<16xf32>
          %mul3A_425 = arith.constant 16 : i32
          %mul3A_426 = arith.muli %scan3A_403, %mul3A_425 : i32
          %swap3A_427 = arith.index_cast %scan3A_101 : i32 to index
          %swap3A_428 = arith.index_cast %mul3A_426 : i32 to index
          %swap3A_429 = tpu.vector_load %arg7[%swap3A_427, %swap3A_428] {strides = array<i32>} : memref<16x2048xf32, #tpu.memory_space<vmem>>, vector<1x16xf32>,
          %swap3A_430 = vector.shape_cast %swap3A_429 : vector<1x16xf32> to vector<16xf32>
          %swap3A_431 = vector.shape_cast %select_n3A_424 : vector<16xf32> to vector<1x16xf32>
          tpu.vector_store %arg7[%swap3A_427, %swap3A_428], %swap3A_431 {strides = array<i32>} : memref<16x2048xf32, #tpu.memory_space<vmem>>, vector<1x16xf32>,
          %max3A_432 = arith.maximumf %max3A_401, %select_n3A_424 : vector<16xf32>
          %scan3A_433 = arith.constant 7 : i32
          %scan3A_434 = arith.addi %scan3A_220, %scan3A_433 : i32
          %mul3A_435 = arith.constant 16 : i32
          %mul3A_436 = arith.muli %scan3A_434, %mul3A_435 : i32
          %get3A_437 = arith.index_cast %scan3A_101 : i32 to index
          %get3A_438 = arith.index_cast %mul3A_436 : i32 to index
          %get3A_439 = tpu.vector_load %arg7[%get3A_437, %get3A_438] {strides = array<i32>} : memref<16x2048xf32, #tpu.memory_space<vmem>>, vector<1x16xf32>,
          %get3A_440 = vector.shape_cast %get3A_439 : vector<1x16xf32> to vector<16xf32>
          %mul3A_441 = arith.constant 16 : i32
          %mul3A_442 = arith.muli %scan3A_434, %mul3A_441 : i32
          %get3A_443 = arith.index_cast %scan3A_101 : i32 to index
          %get3A_444 = arith.index_cast %mul3A_442 : i32 to index
          %get3A_445 = tpu.vector_load %arg8[%get3A_443, %get3A_444] {strides = array<i32>} : memref<16x2048xi32, #tpu.memory_space<vmem>>, vector<1x16xi32>,
          %get3A_446 = vector.shape_cast %get3A_445 : vector<1x16xi32> to vector<16xi32>
          %ne3A_447 = arith.constant 0 : i32
          %ne3A_448 = vector.broadcast %ne3A_447 : i32 to vector<16xi32>
          %ne3A_449 = arith.cmpi ne, %get3A_446, %ne3A_448 : vector<16xi32>
          %ne3A_450 = arith.constant 0.000000e+00 : f32
          %ne3A_451 = vector.broadcast %ne3A_450 : f32 to vector<16xf32>
          %ne3A_452 = arith.cmpf one, %get3A_440, %ne3A_451 : vector<16xf32>
          %and3A_453 = arith.andi %ne3A_449, %ne3A_452 : vector<16xi1>
          %broadcast_in_dim3A_454 = vector.broadcast %scan3A_12 : f32 to vector<16xf32>
          %select_n3A_455 = arith.select %and3A_453, %get3A_440, %broadcast_in_dim3A_454 : vector<16xi1>, vector<16xf32>
          %mul3A_456 = arith.constant 16 : i32
          %mul3A_457 = arith.muli %scan3A_434, %mul3A_456 : i32
          %swap3A_458 = arith.index_cast %scan3A_101 : i32 to index
          %swap3A_459 = arith.index_cast %mul3A_457 : i32 to index
          %swap3A_460 = tpu.vector_load %arg7[%swap3A_458, %swap3A_459] {strides = array<i32>} : memref<16x2048xf32, #tpu.memory_space<vmem>>, vector<1x16xf32>,
          %swap3A_461 = vector.shape_cast %swap3A_460 : vector<1x16xf32> to vector<16xf32>
          %swap3A_462 = vector.shape_cast %select_n3A_455 : vector<16xf32> to vector<1x16xf32>
          tpu.vector_store %arg7[%swap3A_458, %swap3A_459], %swap3A_462 {strides = array<i32>} : memref<16x2048xf32, #tpu.memory_space<vmem>>, vector<1x16xf32>,
          %max3A_463 = arith.maximumf %max3A_432, %select_n3A_455 : vector<16xf32>
          scf.yield %max3A_463 : vector<16xf32>
        }
        %scan3A_107 = arith.constant 128 : i32
        %slice3A = vector.extract_strided_slice %scan3A_106 {offsets = [0], sizes = [1], strides = [1]} : vector<16xf32> to vector<1xf32>
        %squeeze3A = vector.extract %slice3A[0] : f32 from vector<1xf32>
        %slice3A_108 = vector.extract_strided_slice %scan3A_106 {offsets = [1], sizes = [1], strides = [1]} : vector<16xf32> to vector<1xf32>
        %squeeze3A_109 = vector.extract %slice3A_108[0] : f32 from vector<1xf32>
        %max3A = arith.maximumf %squeeze3A, %squeeze3A_109 : f32
        %slice3A_110 = vector.extract_strided_slice %scan3A_106 {offsets = [2], sizes = [1], strides = [1]} : vector<16xf32> to vector<1xf32>
        %squeeze3A_111 = vector.extract %slice3A_110[0] : f32 from vector<1xf32>
        %max3A_112 = arith.maximumf %max3A, %squeeze3A_111 : f32
        %slice3A_113 = vector.extract_strided_slice %scan3A_106 {offsets = [3], sizes = [1], strides = [1]} : vector<16xf32> to vector<1xf32>
        %squeeze3A_114 = vector.extract %slice3A_113[0] : f32 from vector<1xf32>
        %max3A_115 = arith.maximumf %max3A_112, %squeeze3A_114 : f32
        %slice3A_116 = vector.extract_strided_slice %scan3A_106 {offsets = [4], sizes = [1], strides = [1]} : vector<16xf32> to vector<1xf32>
        %squeeze3A_117 = vector.extract %slice3A_116[0] : f32 from vector<1xf32>
        %max3A_118 = arith.maximumf %max3A_115, %squeeze3A_117 : f32
        %slice3A_119 = vector.extract_strided_slice %scan3A_106 {offsets = [5], sizes = [1], strides = [1]} : vector<16xf32> to vector<1xf32>
        %squeeze3A_120 = vector.extract %slice3A_119[0] : f32 from vector<1xf32>
        %max3A_121 = arith.maximumf %max3A_118, %squeeze3A_120 : f32
        %slice3A_122 = vector.extract_strided_slice %scan3A_106 {offsets = [6], sizes = [1], strides = [1]} : vector<16xf32> to vector<1xf32>
        %squeeze3A_123 = vector.extract %slice3A_122[0] : f32 from vector<1xf32>
        %max3A_124 = arith.maximumf %max3A_121, %squeeze3A_123 : f32
        %slice3A_125 = vector.extract_strided_slice %scan3A_106 {offsets = [7], sizes = [1], strides = [1]} : vector<16xf32> to vector<1xf32>
        %squeeze3A_126 = vector.extract %slice3A_125[0] : f32 from vector<1xf32>
        %max3A_127 = arith.maximumf %max3A_124, %squeeze3A_126 : f32
        %slice3A_128 = vector.extract_strided_slice %scan3A_106 {offsets = [8], sizes = [1], strides = [1]} : vector<16xf32> to vector<1xf32>
        %squeeze3A_129 = vector.extract %slice3A_128[0] : f32 from vector<1xf32>
        %max3A_130 = arith.maximumf %max3A_127, %squeeze3A_129 : f32
        %slice3A_131 = vector.extract_strided_slice %scan3A_106 {offsets = [9], sizes = [1], strides = [1]} : vector<16xf32> to vector<1xf32>
        %squeeze3A_132 = vector.extract %slice3A_131[0] : f32 from vector<1xf32>
        %max3A_133 = arith.maximumf %max3A_130, %squeeze3A_132 : f32
        %slice3A_134 = vector.extract_strided_slice %scan3A_106 {offsets = [10], sizes = [1], strides = [1]} : vector<16xf32> to vector<1xf32>
        %squeeze3A_135 = vector.extract %slice3A_134[0] : f32 from vector<1xf32>
        %max3A_136 = arith.maximumf %max3A_133, %squeeze3A_135 : f32
        %slice3A_137 = vector.extract_strided_slice %scan3A_106 {offsets = [11], sizes = [1], strides = [1]} : vector<16xf32> to vector<1xf32>
        %squeeze3A_138 = vector.extract %slice3A_137[0] : f32 from vector<1xf32>
        %max3A_139 = arith.maximumf %max3A_136, %squeeze3A_138 : f32
        %slice3A_140 = vector.extract_strided_slice %scan3A_106 {offsets = [12], sizes = [1], strides = [1]} : vector<16xf32> to vector<1xf32>
        %squeeze3A_141 = vector.extract %slice3A_140[0] : f32 from vector<1xf32>
        %max3A_142 = arith.maximumf %max3A_139, %squeeze3A_141 : f32
        %slice3A_143 = vector.extract_strided_slice %scan3A_106 {offsets = [13], sizes = [1], strides = [1]} : vector<16xf32> to vector<1xf32>
        %squeeze3A_144 = vector.extract %slice3A_143[0] : f32 from vector<1xf32>
        %max3A_145 = arith.maximumf %max3A_142, %squeeze3A_144 : f32
        %slice3A_146 = vector.extract_strided_slice %scan3A_106 {offsets = [14], sizes = [1], strides = [1]} : vector<16xf32> to vector<1xf32>
        %squeeze3A_147 = vector.extract %slice3A_146[0] : f32 from vector<1xf32>
        %max3A_148 = arith.maximumf %max3A_145, %squeeze3A_147 : f32
        %slice3A_149 = vector.extract_strided_slice %scan3A_106 {offsets = [15], sizes = [1], strides = [1]} : vector<16xf32> to vector<1xf32>
        %squeeze3A_150 = vector.extract %slice3A_149[0] : f32 from vector<1xf32>
        %max3A_151 = arith.maximumf %max3A_148, %squeeze3A_150 : f32
        %eq3A = arith.cmpf oeq, %max3A_151, %scan3A_12 : f32
        %jit3A = arith.constant 0.000000e+00 : f32
        %select_n3A = arith.select %eq3A, %jit3A, %max3A_151 : f32
        %broadcast_in_dim3A_152 = arith.constant 0.000000e+00 : f32
        %broadcast_in_dim3A_153 = vector.broadcast %broadcast_in_dim3A_152 : f32 to vector<16xf32>
        %scan3A_154 = arith.constant 0 : i32
        %scan3A_155 = arith.constant 128 : i32
        %scan3A_156 = arith.addi %scan3A_154, %scan3A_155 : i32
        %scan3A_157 = arith.constant 8 : i32
        %scan3A_158 = scf.for %scan3A_220 = %scan3A_154 to %scan3A_156 step %scan3A_157 iter_args(%scan3A_221 = %broadcast_in_dim3A_153) -> (vector<16xf32>)  : i32 {
          %mul3A_222 = arith.constant 16 : i32
          %mul3A_223 = arith.muli %scan3A_220, %mul3A_222 : i32
          %get3A = arith.index_cast %scan3A_101 : i32 to index
          %get3A_224 = arith.index_cast %mul3A_223 : i32 to index
          %get3A_225 = tpu.vector_load %arg7[%get3A, %get3A_224] {strides = array<i32>} : memref<16x2048xf32, #tpu.memory_space<vmem>>, vector<1x16xf32>,
          %get3A_226 = vector.shape_cast %get3A_225 : vector<1x16xf32> to vector<16xf32>
          %sub3A = vector.broadcast %select_n3A : f32 to vector<16xf32>
          %sub3A_227 = arith.subf %get3A_226, %sub3A : vector<16xf32>
          %exp3A = math.exp %sub3A_227 : vector<16xf32>
          %mul3A_228 = arith.constant 16 : i32
          %mul3A_229 = arith.muli %scan3A_220, %mul3A_228 : i32
          %swap3A = arith.index_cast %scan3A_101 : i32 to index
          %swap3A_230 = arith.index_cast %mul3A_229 : i32 to index
          %swap3A_231 = tpu.vector_load %arg7[%swap3A, %swap3A_230] {strides = array<i32>} : memref<16x2048xf32, #tpu.memory_space<vmem>>, vector<1x16xf32>,
          %swap3A_232 = vector.shape_cast %swap3A_231 : vector<1x16xf32> to vector<16xf32>
          %swap3A_233 = vector.shape_cast %exp3A : vector<16xf32> to vector<1x16xf32>
          tpu.vector_store %arg7[%swap3A, %swap3A_230], %swap3A_233 {strides = array<i32>} : memref<16x2048xf32, #tpu.memory_space<vmem>>, vector<1x16xf32>,
          %add3A_234 = arith.addf %scan3A_221, %exp3A : vector<16xf32>
          %scan3A_235 = arith.constant 1 : i32
          %scan3A_236 = arith.addi %scan3A_220, %scan3A_235 : i32
          %mul3A_237 = arith.constant 16 : i32
          %mul3A_238 = arith.muli %scan3A_236, %mul3A_237 : i32
          %get3A_239 = arith.index_cast %scan3A_101 : i32 to index
          %get3A_240 = arith.index_cast %mul3A_238 : i32 to index
          %get3A_241 = tpu.vector_load %arg7[%get3A_239, %get3A_240] {strides = array<i32>} : memref<16x2048xf32, #tpu.memory_space<vmem>>, vector<1x16xf32>,
          %get3A_242 = vector.shape_cast %get3A_241 : vector<1x16xf32> to vector<16xf32>
          %sub3A_243 = vector.broadcast %select_n3A : f32 to vector<16xf32>
          %sub3A_244 = arith.subf %get3A_242, %sub3A_243 : vector<16xf32>
          %exp3A_245 = math.exp %sub3A_244 : vector<16xf32>
          %mul3A_246 = arith.constant 16 : i32
          %mul3A_247 = arith.muli %scan3A_236, %mul3A_246 : i32
          %swap3A_248 = arith.index_cast %scan3A_101 : i32 to index
          %swap3A_249 = arith.index_cast %mul3A_247 : i32 to index
          %swap3A_250 = tpu.vector_load %arg7[%swap3A_248, %swap3A_249] {strides = array<i32>} : memref<16x2048xf32, #tpu.memory_space<vmem>>, vector<1x16xf32>,
          %swap3A_251 = vector.shape_cast %swap3A_250 : vector<1x16xf32> to vector<16xf32>
          %swap3A_252 = vector.shape_cast %exp3A_245 : vector<16xf32> to vector<1x16xf32>
          tpu.vector_store %arg7[%swap3A_248, %swap3A_249], %swap3A_252 {strides = array<i32>} : memref<16x2048xf32, #tpu.memory_space<vmem>>, vector<1x16xf32>,
          %add3A_253 = arith.addf %add3A_234, %exp3A_245 : vector<16xf32>
          %scan3A_254 = arith.constant 2 : i32
          %scan3A_255 = arith.addi %scan3A_220, %scan3A_254 : i32
          %mul3A_256 = arith.constant 16 : i32
          %mul3A_257 = arith.muli %scan3A_255, %mul3A_256 : i32
          %get3A_258 = arith.index_cast %scan3A_101 : i32 to index
          %get3A_259 = arith.index_cast %mul3A_257 : i32 to index
          %get3A_260 = tpu.vector_load %arg7[%get3A_258, %get3A_259] {strides = array<i32>} : memref<16x2048xf32, #tpu.memory_space<vmem>>, vector<1x16xf32>,
          %get3A_261 = vector.shape_cast %get3A_260 : vector<1x16xf32> to vector<16xf32>
          %sub3A_262 = vector.broadcast %select_n3A : f32 to vector<16xf32>
          %sub3A_263 = arith.subf %get3A_261, %sub3A_262 : vector<16xf32>
          %exp3A_264 = math.exp %sub3A_263 : vector<16xf32>
          %mul3A_265 = arith.constant 16 : i32
          %mul3A_266 = arith.muli %scan3A_255, %mul3A_265 : i32
          %swap3A_267 = arith.index_cast %scan3A_101 : i32 to index
          %swap3A_268 = arith.index_cast %mul3A_266 : i32 to index
          %swap3A_269 = tpu.vector_load %arg7[%swap3A_267, %swap3A_268] {strides = array<i32>} : memref<16x2048xf32, #tpu.memory_space<vmem>>, vector<1x16xf32>,
          %swap3A_270 = vector.shape_cast %swap3A_269 : vector<1x16xf32> to vector<16xf32>
          %swap3A_271 = vector.shape_cast %exp3A_264 : vector<16xf32> to vector<1x16xf32>
          tpu.vector_store %arg7[%swap3A_267, %swap3A_268], %swap3A_271 {strides = array<i32>} : memref<16x2048xf32, #tpu.memory_space<vmem>>, vector<1x16xf32>,
          %add3A_272 = arith.addf %add3A_253, %exp3A_264 : vector<16xf32>
          %scan3A_273 = arith.constant 3 : i32
          %scan3A_274 = arith.addi %scan3A_220, %scan3A_273 : i32
          %mul3A_275 = arith.constant 16 : i32
          %mul3A_276 = arith.muli %scan3A_274, %mul3A_275 : i32
          %get3A_277 = arith.index_cast %scan3A_101 : i32 to index
          %get3A_278 = arith.index_cast %mul3A_276 : i32 to index
          %get3A_279 = tpu.vector_load %arg7[%get3A_277, %get3A_278] {strides = array<i32>} : memref<16x2048xf32, #tpu.memory_space<vmem>>, vector<1x16xf32>,
          %get3A_280 = vector.shape_cast %get3A_279 : vector<1x16xf32> to vector<16xf32>
          %sub3A_281 = vector.broadcast %select_n3A : f32 to vector<16xf32>
          %sub3A_282 = arith.subf %get3A_280, %sub3A_281 : vector<16xf32>
          %exp3A_283 = math.exp %sub3A_282 : vector<16xf32>
          %mul3A_284 = arith.constant 16 : i32
          %mul3A_285 = arith.muli %scan3A_274, %mul3A_284 : i32
          %swap3A_286 = arith.index_cast %scan3A_101 : i32 to index
          %swap3A_287 = arith.index_cast %mul3A_285 : i32 to index
          %swap3A_288 = tpu.vector_load %arg7[%swap3A_286, %swap3A_287] {strides = array<i32>} : memref<16x2048xf32, #tpu.memory_space<vmem>>, vector<1x16xf32>,
          %swap3A_289 = vector.shape_cast %swap3A_288 : vector<1x16xf32> to vector<16xf32>
          %swap3A_290 = vector.shape_cast %exp3A_283 : vector<16xf32> to vector<1x16xf32>
          tpu.vector_store %arg7[%swap3A_286, %swap3A_287], %swap3A_290 {strides = array<i32>} : memref<16x2048xf32, #tpu.memory_space<vmem>>, vector<1x16xf32>,
          %add3A_291 = arith.addf %add3A_272, %exp3A_283 : vector<16xf32>
          %scan3A_292 = arith.constant 4 : i32
          %scan3A_293 = arith.addi %scan3A_220, %scan3A_292 : i32
          %mul3A_294 = arith.constant 16 : i32
          %mul3A_295 = arith.muli %scan3A_293, %mul3A_294 : i32
          %get3A_296 = arith.index_cast %scan3A_101 : i32 to index
          %get3A_297 = arith.index_cast %mul3A_295 : i32 to index
          %get3A_298 = tpu.vector_load %arg7[%get3A_296, %get3A_297] {strides = array<i32>} : memref<16x2048xf32, #tpu.memory_space<vmem>>, vector<1x16xf32>,
          %get3A_299 = vector.shape_cast %get3A_298 : vector<1x16xf32> to vector<16xf32>
          %sub3A_300 = vector.broadcast %select_n3A : f32 to vector<16xf32>
          %sub3A_301 = arith.subf %get3A_299, %sub3A_300 : vector<16xf32>
          %exp3A_302 = math.exp %sub3A_301 : vector<16xf32>
          %mul3A_303 = arith.constant 16 : i32
          %mul3A_304 = arith.muli %scan3A_293, %mul3A_303 : i32
          %swap3A_305 = arith.index_cast %scan3A_101 : i32 to index
          %swap3A_306 = arith.index_cast %mul3A_304 : i32 to index
          %swap3A_307 = tpu.vector_load %arg7[%swap3A_305, %swap3A_306] {strides = array<i32>} : memref<16x2048xf32, #tpu.memory_space<vmem>>, vector<1x16xf32>,
          %swap3A_308 = vector.shape_cast %swap3A_307 : vector<1x16xf32> to vector<16xf32>
          %swap3A_309 = vector.shape_cast %exp3A_302 : vector<16xf32> to vector<1x16xf32>
          tpu.vector_store %arg7[%swap3A_305, %swap3A_306], %swap3A_309 {strides = array<i32>} : memref<16x2048xf32, #tpu.memory_space<vmem>>, vector<1x16xf32>,
          %add3A_310 = arith.addf %add3A_291, %exp3A_302 : vector<16xf32>
          %scan3A_311 = arith.constant 5 : i32
          %scan3A_312 = arith.addi %scan3A_220, %scan3A_311 : i32
          %mul3A_313 = arith.constant 16 : i32
          %mul3A_314 = arith.muli %scan3A_312, %mul3A_313 : i32
          %get3A_315 = arith.index_cast %scan3A_101 : i32 to index
          %get3A_316 = arith.index_cast %mul3A_314 : i32 to index
          %get3A_317 = tpu.vector_load %arg7[%get3A_315, %get3A_316] {strides = array<i32>} : memref<16x2048xf32, #tpu.memory_space<vmem>>, vector<1x16xf32>,
          %get3A_318 = vector.shape_cast %get3A_317 : vector<1x16xf32> to vector<16xf32>
          %sub3A_319 = vector.broadcast %select_n3A : f32 to vector<16xf32>
          %sub3A_320 = arith.subf %get3A_318, %sub3A_319 : vector<16xf32>
          %exp3A_321 = math.exp %sub3A_320 : vector<16xf32>
          %mul3A_322 = arith.constant 16 : i32
          %mul3A_323 = arith.muli %scan3A_312, %mul3A_322 : i32
          %swap3A_324 = arith.index_cast %scan3A_101 : i32 to index
          %swap3A_325 = arith.index_cast %mul3A_323 : i32 to index
          %swap3A_326 = tpu.vector_load %arg7[%swap3A_324, %swap3A_325] {strides = array<i32>} : memref<16x2048xf32, #tpu.memory_space<vmem>>, vector<1x16xf32>,
          %swap3A_327 = vector.shape_cast %swap3A_326 : vector<1x16xf32> to vector<16xf32>
          %swap3A_328 = vector.shape_cast %exp3A_321 : vector<16xf32> to vector<1x16xf32>
          tpu.vector_store %arg7[%swap3A_324, %swap3A_325], %swap3A_328 {strides = array<i32>} : memref<16x2048xf32, #tpu.memory_space<vmem>>, vector<1x16xf32>,
          %add3A_329 = arith.addf %add3A_310, %exp3A_321 : vector<16xf32>
          %scan3A_330 = arith.constant 6 : i32
          %scan3A_331 = arith.addi %scan3A_220, %scan3A_330 : i32
          %mul3A_332 = arith.constant 16 : i32
          %mul3A_333 = arith.muli %scan3A_331, %mul3A_332 : i32
          %get3A_334 = arith.index_cast %scan3A_101 : i32 to index
          %get3A_335 = arith.index_cast %mul3A_333 : i32 to index
          %get3A_336 = tpu.vector_load %arg7[%get3A_334, %get3A_335] {strides = array<i32>} : memref<16x2048xf32, #tpu.memory_space<vmem>>, vector<1x16xf32>,
          %get3A_337 = vector.shape_cast %get3A_336 : vector<1x16xf32> to vector<16xf32>
          %sub3A_338 = vector.broadcast %select_n3A : f32 to vector<16xf32>
          %sub3A_339 = arith.subf %get3A_337, %sub3A_338 : vector<16xf32>
          %exp3A_340 = math.exp %sub3A_339 : vector<16xf32>
          %mul3A_341 = arith.constant 16 : i32
          %mul3A_342 = arith.muli %scan3A_331, %mul3A_341 : i32
          %swap3A_343 = arith.index_cast %scan3A_101 : i32 to index
          %swap3A_344 = arith.index_cast %mul3A_342 : i32 to index
          %swap3A_345 = tpu.vector_load %arg7[%swap3A_343, %swap3A_344] {strides = array<i32>} : memref<16x2048xf32, #tpu.memory_space<vmem>>, vector<1x16xf32>,
          %swap3A_346 = vector.shape_cast %swap3A_345 : vector<1x16xf32> to vector<16xf32>
          %swap3A_347 = vector.shape_cast %exp3A_340 : vector<16xf32> to vector<1x16xf32>
          tpu.vector_store %arg7[%swap3A_343, %swap3A_344], %swap3A_347 {strides = array<i32>} : memref<16x2048xf32, #tpu.memory_space<vmem>>, vector<1x16xf32>,
          %add3A_348 = arith.addf %add3A_329, %exp3A_340 : vector<16xf32>
          %scan3A_349 = arith.constant 7 : i32
          %scan3A_350 = arith.addi %scan3A_220, %scan3A_349 : i32
          %mul3A_351 = arith.constant 16 : i32
          %mul3A_352 = arith.muli %scan3A_350, %mul3A_351 : i32
          %get3A_353 = arith.index_cast %scan3A_101 : i32 to index
          %get3A_354 = arith.index_cast %mul3A_352 : i32 to index
          %get3A_355 = tpu.vector_load %arg7[%get3A_353, %get3A_354] {strides = array<i32>} : memref<16x2048xf32, #tpu.memory_space<vmem>>, vector<1x16xf32>,
          %get3A_356 = vector.shape_cast %get3A_355 : vector<1x16xf32> to vector<16xf32>
          %sub3A_357 = vector.broadcast %select_n3A : f32 to vector<16xf32>
          %sub3A_358 = arith.subf %get3A_356, %sub3A_357 : vector<16xf32>
          %exp3A_359 = math.exp %sub3A_358 : vector<16xf32>
          %mul3A_360 = arith.constant 16 : i32
          %mul3A_361 = arith.muli %scan3A_350, %mul3A_360 : i32
          %swap3A_362 = arith.index_cast %scan3A_101 : i32 to index
          %swap3A_363 = arith.index_cast %mul3A_361 : i32 to index
          %swap3A_364 = tpu.vector_load %arg7[%swap3A_362, %swap3A_363] {strides = array<i32>} : memref<16x2048xf32, #tpu.memory_space<vmem>>, vector<1x16xf32>,
          %swap3A_365 = vector.shape_cast %swap3A_364 : vector<1x16xf32> to vector<16xf32>
          %swap3A_366 = vector.shape_cast %exp3A_359 : vector<16xf32> to vector<1x16xf32>
          tpu.vector_store %arg7[%swap3A_362, %swap3A_363], %swap3A_366 {strides = array<i32>} : memref<16x2048xf32, #tpu.memory_space<vmem>>, vector<1x16xf32>,
          %add3A_367 = arith.addf %add3A_348, %exp3A_359 : vector<16xf32>
          scf.yield %add3A_367 : vector<16xf32>
        }
        %scan3A_159 = arith.constant 128 : i32
        %slice3A_160 = vector.extract_strided_slice %scan3A_158 {offsets = [0], sizes = [1], strides = [1]} : vector<16xf32> to vector<1xf32>
        %squeeze3A_161 = vector.extract %slice3A_160[0] : f32 from vector<1xf32>
        %slice3A_162 = vector.extract_strided_slice %scan3A_158 {offsets = [1], sizes = [1], strides = [1]} : vector<16xf32> to vector<1xf32>
        %squeeze3A_163 = vector.extract %slice3A_162[0] : f32 from vector<1xf32>
        %add3A_164 = arith.addf %squeeze3A_161, %squeeze3A_163 : f32
        %slice3A_165 = vector.extract_strided_slice %scan3A_158 {offsets = [2], sizes = [1], strides = [1]} : vector<16xf32> to vector<1xf32>
        %squeeze3A_166 = vector.extract %slice3A_165[0] : f32 from vector<1xf32>
        %add3A_167 = arith.addf %add3A_164, %squeeze3A_166 : f32
        %slice3A_168 = vector.extract_strided_slice %scan3A_158 {offsets = [3], sizes = [1], strides = [1]} : vector<16xf32> to vector<1xf32>
        %squeeze3A_169 = vector.extract %slice3A_168[0] : f32 from vector<1xf32>
        %add3A_170 = arith.addf %add3A_167, %squeeze3A_169 : f32
        %slice3A_171 = vector.extract_strided_slice %scan3A_158 {offsets = [4], sizes = [1], strides = [1]} : vector<16xf32> to vector<1xf32>
        %squeeze3A_172 = vector.extract %slice3A_171[0] : f32 from vector<1xf32>
        %add3A_173 = arith.addf %add3A_170, %squeeze3A_172 : f32
        %slice3A_174 = vector.extract_strided_slice %scan3A_158 {offsets = [5], sizes = [1], strides = [1]} : vector<16xf32> to vector<1xf32>
        %squeeze3A_175 = vector.extract %slice3A_174[0] : f32 from vector<1xf32>
        %add3A_176 = arith.addf %add3A_173, %squeeze3A_175 : f32
        %slice3A_177 = vector.extract_strided_slice %scan3A_158 {offsets = [6], sizes = [1], strides = [1]} : vector<16xf32> to vector<1xf32>
        %squeeze3A_178 = vector.extract %slice3A_177[0] : f32 from vector<1xf32>
        %add3A_179 = arith.addf %add3A_176, %squeeze3A_178 : f32
        %slice3A_180 = vector.extract_strided_slice %scan3A_158 {offsets = [7], sizes = [1], strides = [1]} : vector<16xf32> to vector<1xf32>
        %squeeze3A_181 = vector.extract %slice3A_180[0] : f32 from vector<1xf32>
        %add3A_182 = arith.addf %add3A_179, %squeeze3A_181 : f32
        %slice3A_183 = vector.extract_strided_slice %scan3A_158 {offsets = [8], sizes = [1], strides = [1]} : vector<16xf32> to vector<1xf32>
        %squeeze3A_184 = vector.extract %slice3A_183[0] : f32 from vector<1xf32>
        %add3A_185 = arith.addf %add3A_182, %squeeze3A_184 : f32
        %slice3A_186 = vector.extract_strided_slice %scan3A_158 {offsets = [9], sizes = [1], strides = [1]} : vector<16xf32> to vector<1xf32>
        %squeeze3A_187 = vector.extract %slice3A_186[0] : f32 from vector<1xf32>
        %add3A_188 = arith.addf %add3A_185, %squeeze3A_187 : f32
        %slice3A_189 = vector.extract_strided_slice %scan3A_158 {offsets = [10], sizes = [1], strides = [1]} : vector<16xf32> to vector<1xf32>
        %squeeze3A_190 = vector.extract %slice3A_189[0] : f32 from vector<1xf32>
        %add3A_191 = arith.addf %add3A_188, %squeeze3A_190 : f32
        %slice3A_192 = vector.extract_strided_slice %scan3A_158 {offsets = [11], sizes = [1], strides = [1]} : vector<16xf32> to vector<1xf32>
        %squeeze3A_193 = vector.extract %slice3A_192[0] : f32 from vector<1xf32>
        %add3A_194 = arith.addf %add3A_191, %squeeze3A_193 : f32
        %slice3A_195 = vector.extract_strided_slice %scan3A_158 {offsets = [12], sizes = [1], strides = [1]} : vector<16xf32> to vector<1xf32>
        %squeeze3A_196 = vector.extract %slice3A_195[0] : f32 from vector<1xf32>
        %add3A_197 = arith.addf %add3A_194, %squeeze3A_196 : f32
        %slice3A_198 = vector.extract_strided_slice %scan3A_158 {offsets = [13], sizes = [1], strides = [1]} : vector<16xf32> to vector<1xf32>
        %squeeze3A_199 = vector.extract %slice3A_198[0] : f32 from vector<1xf32>
        %add3A_200 = arith.addf %add3A_197, %squeeze3A_199 : f32
        %slice3A_201 = vector.extract_strided_slice %scan3A_158 {offsets = [14], sizes = [1], strides = [1]} : vector<16xf32> to vector<1xf32>
        %squeeze3A_202 = vector.extract %slice3A_201[0] : f32 from vector<1xf32>
        %add3A_203 = arith.addf %add3A_200, %squeeze3A_202 : f32
        %slice3A_204 = vector.extract_strided_slice %scan3A_158 {offsets = [15], sizes = [1], strides = [1]} : vector<16xf32> to vector<1xf32>
        %squeeze3A_205 = vector.extract %slice3A_204[0] : f32 from vector<1xf32>
        %add3A_206 = arith.addf %add3A_203, %squeeze3A_205 : f32
        %eq3A_207 = arith.constant 0.000000e+00 : f32
        %eq3A_208 = arith.cmpf oeq, %add3A_206, %eq3A_207 : f32
        %jit3A_209 = arith.constant 1.000000e+00 : f32
        %select_n3A_210 = arith.select %eq3A_208, %jit3A_209, %add3A_206 : f32
        %broadcast_in_dim3A_211 = arith.constant 1.000000e+00 : f32
        %broadcast_in_dim3A_212 = vector.broadcast %broadcast_in_dim3A_211 : f32 to vector<16xf32>
        %broadcast_in_dim3A_213 = vector.broadcast %select_n3A_210 : f32 to vector<16xf32>
        %div3A = arith.divf %broadcast_in_dim3A_212, %broadcast_in_dim3A_213 : vector<16xf32>
        %scan3A_214 = arith.constant 0 : i32
        %scan3A_215 = arith.constant 0 : i32
        %scan3A_216 = arith.constant 128 : i32
        %scan3A_217 = arith.addi %scan3A_215, %scan3A_216 : i32
        %scan3A_218 = arith.constant 8 : i32
        scf.for %scan3A_220 = %scan3A_215 to %scan3A_217 step %scan3A_218  : i32 {
          %mul3A_221 = arith.constant 16 : i32
          %mul3A_222 = arith.muli %scan3A_220, %mul3A_221 : i32
          %get3A = arith.index_cast %scan3A_101 : i32 to index
          %get3A_223 = arith.index_cast %mul3A_222 : i32 to index
          %get3A_224 = tpu.vector_load %arg7[%get3A, %get3A_223] {strides = array<i32>} : memref<16x2048xf32, #tpu.memory_space<vmem>>, vector<1x16xf32>,
          %get3A_225 = vector.shape_cast %get3A_224 : vector<1x16xf32> to vector<16xf32>
          %mul3A_226 = arith.mulf %get3A_225, %div3A : vector<16xf32>
          %mul3A_227 = arith.constant 16 : i32
          %mul3A_228 = arith.muli %scan3A_220, %mul3A_227 : i32
          %swap3A = arith.index_cast %scan3A_101 : i32 to index
          %swap3A_229 = arith.index_cast %mul3A_228 : i32 to index
          %swap3A_230 = tpu.vector_load %arg7[%swap3A, %swap3A_229] {strides = array<i32>} : memref<16x2048xf32, #tpu.memory_space<vmem>>, vector<1x16xf32>,
          %swap3A_231 = vector.shape_cast %swap3A_230 : vector<1x16xf32> to vector<16xf32>
          %swap3A_232 = vector.shape_cast %mul3A_226 : vector<16xf32> to vector<1x16xf32>
          tpu.vector_store %arg7[%swap3A, %swap3A_229], %swap3A_232 {strides = array<i32>} : memref<16x2048xf32, #tpu.memory_space<vmem>>, vector<1x16xf32>,
          %scan3A_233 = arith.constant 1 : i32
          %scan3A_234 = arith.addi %scan3A_220, %scan3A_233 : i32
          %mul3A_235 = arith.constant 16 : i32
          %mul3A_236 = arith.muli %scan3A_234, %mul3A_235 : i32
          %get3A_237 = arith.index_cast %scan3A_101 : i32 to index
          %get3A_238 = arith.index_cast %mul3A_236 : i32 to index
          %get3A_239 = tpu.vector_load %arg7[%get3A_237, %get3A_238] {strides = array<i32>} : memref<16x2048xf32, #tpu.memory_space<vmem>>, vector<1x16xf32>,
          %get3A_240 = vector.shape_cast %get3A_239 : vector<1x16xf32> to vector<16xf32>
          %mul3A_241 = arith.mulf %get3A_240, %div3A : vector<16xf32>
          %mul3A_242 = arith.constant 16 : i32
          %mul3A_243 = arith.muli %scan3A_234, %mul3A_242 : i32
          %swap3A_244 = arith.index_cast %scan3A_101 : i32 to index
          %swap3A_245 = arith.index_cast %mul3A_243 : i32 to index
          %swap3A_246 = tpu.vector_load %arg7[%swap3A_244, %swap3A_245] {strides = array<i32>} : memref<16x2048xf32, #tpu.memory_space<vmem>>, vector<1x16xf32>,
          %swap3A_247 = vector.shape_cast %swap3A_246 : vector<1x16xf32> to vector<16xf32>
          %swap3A_248 = vector.shape_cast %mul3A_241 : vector<16xf32> to vector<1x16xf32>
          tpu.vector_store %arg7[%swap3A_244, %swap3A_245], %swap3A_248 {strides = array<i32>} : memref<16x2048xf32, #tpu.memory_space<vmem>>, vector<1x16xf32>,
          %scan3A_249 = arith.constant 2 : i32
          %scan3A_250 = arith.addi %scan3A_220, %scan3A_249 : i32
          %mul3A_251 = arith.constant 16 : i32
          %mul3A_252 = arith.muli %scan3A_250, %mul3A_251 : i32
          %get3A_253 = arith.index_cast %scan3A_101 : i32 to index
          %get3A_254 = arith.index_cast %mul3A_252 : i32 to index
          %get3A_255 = tpu.vector_load %arg7[%get3A_253, %get3A_254] {strides = array<i32>} : memref<16x2048xf32, #tpu.memory_space<vmem>>, vector<1x16xf32>,
          %get3A_256 = vector.shape_cast %get3A_255 : vector<1x16xf32> to vector<16xf32>
          %mul3A_257 = arith.mulf %get3A_256, %div3A : vector<16xf32>
          %mul3A_258 = arith.constant 16 : i32
          %mul3A_259 = arith.muli %scan3A_250, %mul3A_258 : i32
          %swap3A_260 = arith.index_cast %scan3A_101 : i32 to index
          %swap3A_261 = arith.index_cast %mul3A_259 : i32 to index
          %swap3A_262 = tpu.vector_load %arg7[%swap3A_260, %swap3A_261] {strides = array<i32>} : memref<16x2048xf32, #tpu.memory_space<vmem>>, vector<1x16xf32>,
          %swap3A_263 = vector.shape_cast %swap3A_262 : vector<1x16xf32> to vector<16xf32>
          %swap3A_264 = vector.shape_cast %mul3A_257 : vector<16xf32> to vector<1x16xf32>
          tpu.vector_store %arg7[%swap3A_260, %swap3A_261], %swap3A_264 {strides = array<i32>} : memref<16x2048xf32, #tpu.memory_space<vmem>>, vector<1x16xf32>,
          %scan3A_265 = arith.constant 3 : i32
          %scan3A_266 = arith.addi %scan3A_220, %scan3A_265 : i32
          %mul3A_267 = arith.constant 16 : i32
          %mul3A_268 = arith.muli %scan3A_266, %mul3A_267 : i32
          %get3A_269 = arith.index_cast %scan3A_101 : i32 to index
          %get3A_270 = arith.index_cast %mul3A_268 : i32 to index
          %get3A_271 = tpu.vector_load %arg7[%get3A_269, %get3A_270] {strides = array<i32>} : memref<16x2048xf32, #tpu.memory_space<vmem>>, vector<1x16xf32>,
          %get3A_272 = vector.shape_cast %get3A_271 : vector<1x16xf32> to vector<16xf32>
          %mul3A_273 = arith.mulf %get3A_272, %div3A : vector<16xf32>
          %mul3A_274 = arith.constant 16 : i32
          %mul3A_275 = arith.muli %scan3A_266, %mul3A_274 : i32
          %swap3A_276 = arith.index_cast %scan3A_101 : i32 to index
          %swap3A_277 = arith.index_cast %mul3A_275 : i32 to index
          %swap3A_278 = tpu.vector_load %arg7[%swap3A_276, %swap3A_277] {strides = array<i32>} : memref<16x2048xf32, #tpu.memory_space<vmem>>, vector<1x16xf32>,
          %swap3A_279 = vector.shape_cast %swap3A_278 : vector<1x16xf32> to vector<16xf32>
          %swap3A_280 = vector.shape_cast %mul3A_273 : vector<16xf32> to vector<1x16xf32>
          tpu.vector_store %arg7[%swap3A_276, %swap3A_277], %swap3A_280 {strides = array<i32>} : memref<16x2048xf32, #tpu.memory_space<vmem>>, vector<1x16xf32>,
          %scan3A_281 = arith.constant 4 : i32
          %scan3A_282 = arith.addi %scan3A_220, %scan3A_281 : i32
          %mul3A_283 = arith.constant 16 : i32
          %mul3A_284 = arith.muli %scan3A_282, %mul3A_283 : i32
          %get3A_285 = arith.index_cast %scan3A_101 : i32 to index
          %get3A_286 = arith.index_cast %mul3A_284 : i32 to index
          %get3A_287 = tpu.vector_load %arg7[%get3A_285, %get3A_286] {strides = array<i32>} : memref<16x2048xf32, #tpu.memory_space<vmem>>, vector<1x16xf32>,
          %get3A_288 = vector.shape_cast %get3A_287 : vector<1x16xf32> to vector<16xf32>
          %mul3A_289 = arith.mulf %get3A_288, %div3A : vector<16xf32>
          %mul3A_290 = arith.constant 16 : i32
          %mul3A_291 = arith.muli %scan3A_282, %mul3A_290 : i32
          %swap3A_292 = arith.index_cast %scan3A_101 : i32 to index
          %swap3A_293 = arith.index_cast %mul3A_291 : i32 to index
          %swap3A_294 = tpu.vector_load %arg7[%swap3A_292, %swap3A_293] {strides = array<i32>} : memref<16x2048xf32, #tpu.memory_space<vmem>>, vector<1x16xf32>,
          %swap3A_295 = vector.shape_cast %swap3A_294 : vector<1x16xf32> to vector<16xf32>
          %swap3A_296 = vector.shape_cast %mul3A_289 : vector<16xf32> to vector<1x16xf32>
          tpu.vector_store %arg7[%swap3A_292, %swap3A_293], %swap3A_296 {strides = array<i32>} : memref<16x2048xf32, #tpu.memory_space<vmem>>, vector<1x16xf32>,
          %scan3A_297 = arith.constant 5 : i32
          %scan3A_298 = arith.addi %scan3A_220, %scan3A_297 : i32
          %mul3A_299 = arith.constant 16 : i32
          %mul3A_300 = arith.muli %scan3A_298, %mul3A_299 : i32
          %get3A_301 = arith.index_cast %scan3A_101 : i32 to index
          %get3A_302 = arith.index_cast %mul3A_300 : i32 to index
          %get3A_303 = tpu.vector_load %arg7[%get3A_301, %get3A_302] {strides = array<i32>} : memref<16x2048xf32, #tpu.memory_space<vmem>>, vector<1x16xf32>,
          %get3A_304 = vector.shape_cast %get3A_303 : vector<1x16xf32> to vector<16xf32>
          %mul3A_305 = arith.mulf %get3A_304, %div3A : vector<16xf32>
          %mul3A_306 = arith.constant 16 : i32
          %mul3A_307 = arith.muli %scan3A_298, %mul3A_306 : i32
          %swap3A_308 = arith.index_cast %scan3A_101 : i32 to index
          %swap3A_309 = arith.index_cast %mul3A_307 : i32 to index
          %swap3A_310 = tpu.vector_load %arg7[%swap3A_308, %swap3A_309] {strides = array<i32>} : memref<16x2048xf32, #tpu.memory_space<vmem>>, vector<1x16xf32>,
          %swap3A_311 = vector.shape_cast %swap3A_310 : vector<1x16xf32> to vector<16xf32>
          %swap3A_312 = vector.shape_cast %mul3A_305 : vector<16xf32> to vector<1x16xf32>
          tpu.vector_store %arg7[%swap3A_308, %swap3A_309], %swap3A_312 {strides = array<i32>} : memref<16x2048xf32, #tpu.memory_space<vmem>>, vector<1x16xf32>,
          %scan3A_313 = arith.constant 6 : i32
          %scan3A_314 = arith.addi %scan3A_220, %scan3A_313 : i32
          %mul3A_315 = arith.constant 16 : i32
          %mul3A_316 = arith.muli %scan3A_314, %mul3A_315 : i32
          %get3A_317 = arith.index_cast %scan3A_101 : i32 to index
          %get3A_318 = arith.index_cast %mul3A_316 : i32 to index
          %get3A_319 = tpu.vector_load %arg7[%get3A_317, %get3A_318] {strides = array<i32>} : memref<16x2048xf32, #tpu.memory_space<vmem>>, vector<1x16xf32>,
          %get3A_320 = vector.shape_cast %get3A_319 : vector<1x16xf32> to vector<16xf32>
          %mul3A_321 = arith.mulf %get3A_320, %div3A : vector<16xf32>
          %mul3A_322 = arith.constant 16 : i32
          %mul3A_323 = arith.muli %scan3A_314, %mul3A_322 : i32
          %swap3A_324 = arith.index_cast %scan3A_101 : i32 to index
          %swap3A_325 = arith.index_cast %mul3A_323 : i32 to index
          %swap3A_326 = tpu.vector_load %arg7[%swap3A_324, %swap3A_325] {strides = array<i32>} : memref<16x2048xf32, #tpu.memory_space<vmem>>, vector<1x16xf32>,
          %swap3A_327 = vector.shape_cast %swap3A_326 : vector<1x16xf32> to vector<16xf32>
          %swap3A_328 = vector.shape_cast %mul3A_321 : vector<16xf32> to vector<1x16xf32>
          tpu.vector_store %arg7[%swap3A_324, %swap3A_325], %swap3A_328 {strides = array<i32>} : memref<16x2048xf32, #tpu.memory_space<vmem>>, vector<1x16xf32>,
          %scan3A_329 = arith.constant 7 : i32
          %scan3A_330 = arith.addi %scan3A_220, %scan3A_329 : i32
          %mul3A_331 = arith.constant 16 : i32
          %mul3A_332 = arith.muli %scan3A_330, %mul3A_331 : i32
          %get3A_333 = arith.index_cast %scan3A_101 : i32 to index
          %get3A_334 = arith.index_cast %mul3A_332 : i32 to index
          %get3A_335 = tpu.vector_load %arg7[%get3A_333, %get3A_334] {strides = array<i32>} : memref<16x2048xf32, #tpu.memory_space<vmem>>, vector<1x16xf32>,
          %get3A_336 = vector.shape_cast %get3A_335 : vector<1x16xf32> to vector<16xf32>
          %mul3A_337 = arith.mulf %get3A_336, %div3A : vector<16xf32>
          %mul3A_338 = arith.constant 16 : i32
          %mul3A_339 = arith.muli %scan3A_330, %mul3A_338 : i32
          %swap3A_340 = arith.index_cast %scan3A_101 : i32 to index
          %swap3A_341 = arith.index_cast %mul3A_339 : i32 to index
          %swap3A_342 = tpu.vector_load %arg7[%swap3A_340, %swap3A_341] {strides = array<i32>} : memref<16x2048xf32, #tpu.memory_space<vmem>>, vector<1x16xf32>,
          %swap3A_343 = vector.shape_cast %swap3A_342 : vector<1x16xf32> to vector<16xf32>
          %swap3A_344 = vector.shape_cast %mul3A_337 : vector<16xf32> to vector<1x16xf32>
          tpu.vector_store %arg7[%swap3A_340, %swap3A_341], %swap3A_344 {strides = array<i32>} : memref<16x2048xf32, #tpu.memory_space<vmem>>, vector<1x16xf32>,
        }
        %scan3A_219 = arith.constant 128 : i32
      }
      %scan3A_93 = arith.constant 16 : i32
      %mul3A_94 = arith.constant 16 : i32
      %mul3A_95 = arith.muli %add3A_33, %mul3A_94 : i32
      %add3A_96 = arith.addi %mul3A_2, %mul3A_95 : i32
      %dma_start3A_97 = arith.constant 0 : i32
      %dma_start3A_98 = tpu.memref_slice %arg4[%add3A_96, %dma_start3A_97] : memref<24576x2048xf32, #tpu.memory_space<hbm>> -> memref<16x2048xf32, #tpu.memory_space<hbm>>
      %dma_start3A_99 = arith.constant 0 : i32
      %dma_start3A_100 = tpu.memref_slice %arg4[%add3A_96, %dma_start3A_99] : memref<24576x2048xf32, #tpu.memory_space<hbm>> -> memref<16x2048xf32, #tpu.memory_space<hbm>>
      tpu.enqueue_dma source(%arg7 : memref<16x2048xf32, #tpu.memory_space<vmem>>) target(%dma_start3A_100 : memref<16x2048xf32, #tpu.memory_space<hbm>>) target_semaphore(%arg14 : memref<!tpu.dma_semaphore, #tpu.memory_space<semaphore_mem>>)
    }
    %scan3A_17 = arith.constant 24 : i32
    %add3A_18 = arith.constant 736 : i32
    %add3A_19 = arith.addi %mul3A_2, %add3A_18 : i32
    %dma_wait3A = arith.constant 0 : i32
    %dma_wait3A_20 = tpu.memref_slice %arg4[%add3A_19, %dma_wait3A] : memref<24576x2048xf32, #tpu.memory_space<hbm>> -> memref<16x2048xf32, #tpu.memory_space<hbm>>
    %dma_wait3A_21 = arith.constant 0 : i32
    %dma_wait3A_22 = tpu.memref_slice %arg4[%add3A_19, %dma_wait3A_21] : memref<24576x2048xf32, #tpu.memory_space<hbm>> -> memref<16x2048xf32, #tpu.memory_space<hbm>>
    tpu.wait_dma2 semaphore(%arg13 : memref<!tpu.dma_semaphore, #tpu.memory_space<semaphore_mem>>) src(%arg5 : memref<16x2048xf32, #tpu.memory_space<vmem>>) dst(%dma_wait3A_22 : memref<16x2048xf32, #tpu.memory_space<hbm>>)
    %add3A_23 = arith.constant 752 : i32
    %add3A_24 = arith.addi %mul3A_2, %add3A_23 : i32
    %dma_wait3A_25 = arith.constant 0 : i32
    %dma_wait3A_26 = tpu.memref_slice %arg4[%add3A_24, %dma_wait3A_25] : memref<24576x2048xf32, #tpu.memory_space<hbm>> -> memref<16x2048xf32, #tpu.memory_space<hbm>>
    %dma_wait3A_27 = arith.constant 0 : i32
    %dma_wait3A_28 = tpu.memref_slice %arg4[%add3A_24, %dma_wait3A_27] : memref<24576x2048xf32, #tpu.memory_space<hbm>> -> memref<16x2048xf32, #tpu.memory_space<hbm>>
    tpu.wait_dma2 semaphore(%arg14 : memref<!tpu.dma_semaphore, #tpu.memory_space<semaphore_mem>>) src(%arg7 : memref<16x2048xf32, #tpu.memory_space<vmem>>) dst(%dma_wait3A_28 : memref<16x2048xf32, #tpu.memory_space<hbm>>)
    return
  }
}

</mosaic_0001>

<sc_bundles>
// kernel: kernel.3.cloned.1.call-start
scs
__scs_entry_jumppad:
0x0: {  	(pc) =	sbr.rel $0x88, $3  }
0x1: {  	(tag) =	ssettag $0x0;
	lr =	simm.s32 $0x1  }
0x2: {  	[smem:$0x3F9F] =	sst lr;
	_ =	strace $0xD0000000  }
0x3: {  	_ = 	snop  }
0x4: {  	_ = 	snop  }
0x5: {  	_ = 	snop  }
0x6: {  	_ = 	snop  }
0x7: {  	_ = 	snop  }
__scs_overlays_trampoline_lowered:
0x8: {  	[smem:$0x3FAE] =	sst s0  }
0x9: {  	[smem:$0x3FAF] =	sst s1  }
0xa: {  	[smem:$0x3FB0] =	sst s2  }
0xb: {  	[smem:$0x3FB1] =	sst s3  }
0xc: {  	[smem:$0x3FB2] =	sst s4  }
0xd: {  	[smem:$0x3FB3] =	sst s5  }
0xe: {  	[smem:$0x3FB4] =	sst s6  }
0xf: {  	[smem:$0x3FB5] =	sst s7  }
0x10: {  	[smem:$0x3FB6] =	sst s8  }
0x11: {  	[smem:$0x3FB7] =	sst s9;
	s0 =	simm.s32 @!p0 $0x0  }
0x12: {  	s1 =	sld [smem:$0x3F9D];
	s0 =	simm.s32 @p0 $0x1  }
0x13: {  	[smem:$0x3FB8] =	sst s0;
	s0 =	simm.s32 @!p1 $0x0  }
0x14: {  	s2 =	sld [smem:$0x3F9C];
	s0 =	simm.s32 @p1 $0x1  }
0x15: {  	[smem:$0x3FB9] =	sst s0;
	s0 =	simm.s32 @!p2 $0x0  }
0x16: {  	s3 =	sld [smem:$0x3FDB];
	s0 =	simm.s32 @p2 $0x1  }
0x17: {  	s4 =	simm.s32 $0x1BF5;
	[smem:$0x3FBB] =	sst s0  }
0x18: {  	s0 =	sld [smem:$0x3F9E];
	_ =	swait.ge [sflag:s4], $0x0  }
0x19: {  	s7 =	sld [smem:$0x3F9F]  }
0x1a: {  	s8 =	sadd.s32 $0xFFFFE003, lr  }
0x1b: {  	s9 =	sadd.s32 $0xFFFFFEF7, lr;
	s5 =	simm.s32 $0xFFFFFFFF;
	p2 =	slt.u32 s8, $0xFFFFF086  }
0x1c: {  	p1 =	slt.u32 s9, $0xF7A;
	s5 =	simm.s32 @!p2 $0x0  }
0x1d: {  	s5 =	simm.s32 @p1 $0x1;
	p0 =	seq.s32 s7, s2  }
0x1e: {  	s7 =	smul.u32 @!p0 $0xF7A, s2;
	p2 =	seq.s32 @!p0 s5, $0x0  }
0x1f: {  	s9 =	smul.u32 $0xF7A, s1;
	s8 =	simm.s32 @!p0 $0x1BF5;
	p2 =	por !p2, p0  }
0x20: {  	[sflag:s8] =	ssyncset.s32 @!p0 $0xFFFFF086;
	s6 =	sadd.s32 @!p0 s3, s7;
	s7 =	simm.s32 @!p0 $0x108  }
0x21: {  	s3 =	sadd.s32 s3, s9;
	s6 =	sadd.s32 @!p0 $0x88, s6;
	s7 =	simm.s32 @p2 $0x1082  }
0x22: {  	[simem:s7], [sflag:s8] =	dma.local @!p0 [hbm:s6], $0xF7A  }
0x23: {  	s9 =	sor.u32 $0xD0000000, s2;
	s6 =	simm.s32 $0x108;
	_ =	swait.ge @!p0 [sflag:s8], $0x0  }
0x24: {  	s3 =	sadd.s32 $0x88, s3;
	s6 =	simm.s32 @!p1 $0x1082;
	[sflag:s4] =	ssyncset.s32 $0xFFFFF086  }
0x25: {  	[simem:s6], [sflag:s4] =	dma.local [hbm:s3], $0xF7A  }
0x26: {  	[smem:$0x3F9F] =	sst s1;
	(tag) =	ssettag s2;
	_ =	strace s9  }
0x27: {  	s1 =	sld [smem:$0x3FAF]  }
0x28: {  	s2 =	sld [smem:$0x3FB0]  }
0x29: {  	s4 =	sld [smem:$0x3FB2]  }
0x2a: {  	p0 =	seq.s32 s5, $0x0;
	s5 =	sld [smem:$0x3FB3]  }
0x2b: {  	s6 =	sld [smem:$0x3FB4]  }
0x2c: {  	s7 =	sld [smem:$0x3FB5]  }
0x2d: {  	s3 =	simm.s32 $0x108;
	s8 =	sld [smem:$0x3FB6]  }
0x2e: {  	s3 =	simm.s32 @!p0 $0x1082;
	s9 =	sld [smem:$0x3FB7]  }
0x2f: {  	lr =	sadd.s32 s0, s3;
	s0 =	sld [smem:$0x3FAE]  }
0x30: {  	s3 =	sld [smem:$0x3FB1]  }
0x31: {  	[smem:$0x3FBA] =	sst s10  }
0x32: {  	s10 =	sld [smem:$0x3FB8];
	_ =	sdelay $0x3  }
0x33: {  	p0 =	seq.s32 s10, $0x1;
	s10 =	sld [smem:$0x3FBA];
	_ =	sdelay $0x3  }
0x34: {  	[smem:$0x3FBA] =	sst s10  }
0x35: {  	s10 =	sld [smem:$0x3FB9];
	_ =	sdelay $0x3  }
0x36: {  	p1 =	seq.s32 s10, $0x1;
	s10 =	sld [smem:$0x3FBA];
	_ =	sdelay $0x3  }
0x37: {  	[smem:$0x3FBA] =	sst s10  }
0x38: {  	s10 =	sld [smem:$0x3FBB]  }
0x39: {  	_ = 	snop;
	(pc) =	sbr.ind lr, $3  }
0x3a: {  	_ = 	snop  }
0x3b: {  	_ = 	snop  }
0x3c: {  	p2 =	seq.s32 s10, $0x1;
	s10 =	sld [smem:$0x3FBA]  }
0x3d: {  	_ =	shalt  }
0x3e: {  	_ =	shalt  }
0x3f: {  	_ =	shalt  }
0x40: {  	_ =	shalt  }
0x41: {  	_ =	shalt  }
0x42: {  	_ =	shalt  }
0x43: {  	_ =	shalt  }
0x44: {  	_ =	shalt  }
0x45: {  	_ =	shalt  }
0x46: {  	_ =	shalt  }
0x47: {  	_ =	shalt  }
0x48: {  	_ =	shalt  }
0x49: {  	_ =	shalt  }
0x4a: {  	_ =	shalt  }
0x4b: {  	_ =	shalt  }
0x4c: {  	_ =	shalt  }
0x4d: {  	_ =	shalt  }
0x4e: {  	_ =	shalt  }
0x4f: {  	_ =	shalt  }
0x50: {  	_ =	shalt  }
0x51: {  	_ =	shalt  }
0x52: {  	_ =	shalt  }
0x53: {  	_ =	shalt  }
0x54: {  	_ =	shalt  }
0x55: {  	_ =	shalt  }
0x56: {  	_ =	shalt  }
0x57: {  	_ =	shalt  }
0x58: {  	_ =	shalt  }
0x59: {  	_ =	shalt  }
0x5a: {  	_ =	shalt  }
0x5b: {  	_ =	shalt  }
0x5c: {  	_ =	shalt  }
0x5d: {  	_ =	shalt  }
0x5e: {  	_ =	shalt  }
0x5f: {  	_ =	shalt  }
0x60: {  	_ =	shalt  }
0x61: {  	_ =	shalt  }
0x62: {  	_ =	shalt  }
0x63: {  	_ =	shalt  }
0x64: {  	_ =	shalt  }
0x65: {  	_ =	shalt  }
0x66: {  	_ =	shalt  }
0x67: {  	_ =	shalt  }
0x68: {  	_ =	shalt  }
0x69: {  	_ =	shalt  }
0x6a: {  	_ =	shalt  }
0x6b: {  	_ =	shalt  }
0x6c: {  	_ =	shalt  }
0x6d: {  	_ =	shalt  }
0x6e: {  	_ =	shalt  }
0x6f: {  	_ =	shalt  }
0x70: {  	_ =	shalt  }
0x71: {  	_ =	shalt  }
0x72: {  	_ =	shalt  }
0x73: {  	_ =	shalt  }
0x74: {  	_ =	shalt  }
0x75: {  	_ =	shalt  }
0x76: {  	_ =	shalt  }
0x77: {  	_ =	shalt  }
0x78: {  	_ =	shalt  }
0x79: {  	_ =	shalt  }
0x7a: {  	_ =	shalt  }
0x7b: {  	_ =	shalt  }
0x7c: {  	_ =	shalt  }
0x7d: {  	_ =	shalt  }
0x7e: {  	_ =	shalt  }
0x7f: {  	_ =	shalt  }
0x80: {  	_ =	shalt  }
0x81: {  	_ =	shalt  }
0x82: {  	_ =	shalt  }
0x83: {  	_ =	shalt  }
0x84: {  	_ =	shalt  }
0x85: {  	_ =	shalt  }
0x86: {  	_ =	shalt  }
0x87: {  	_ =	shalt  }
.Lfunc_end0:
.L_simem_size_0:
called_computation_lowered:
.L_overlay_start_0:
0x88: {  	s2 =	sld [smem:$0x3FD9]  }
0x89: {  	s3 =	sld [smem:$0x3FFE];
	_ =	sdelay $0x1  }
0x8a: {  	s1 =	srdreg.scid  }
0x8b: {  	s0 =	sand.u32 $0x1, s1  }
0x8c: {  	s18 =	sshll.u32 s0, $0xA;
	s2 =	sadd.s32 s3, s2  }
0x8d: {  	s2 =	sadd.s32 s2, s18  }
0x8e: {  	[smem:$0x3FC6] =	sst s2  }
0x8f: {  	_ = 	snop  }
0x90: {  	s2 =	sld [smem:$0x3FC9]  }
0x91: {  	s19 =	sld [smem:$0x3FC8]  }
0x92: {  	s4 =	sld [smem:$0x3FD0];
	(tm) =	ssettm $0x1  }
0x93: {  	s5 =	sld [smem:$0x3FFB];
	_ =	sdelay $0x3  }
0x94: {  	_ =	strace s5  }
0x95: {  	s5 =	sld [smem:$0x3FFC];
	_ =	sdelay $0x3  }
0x96: {  	_ =	strace s5  }
0x97: {  	s5 =	sld [smem:$0x3FFD];
	_ =	sdelay $0x3  }
0x98: {  	_ =	strace s5  }
0x99: {  	_ =	strace $0x8FFFFFFF  }
0x9a: {  	s20 =	sld [smem:$0x3FDB];
	_ =	sdelay $0x1  }
0x9b: {  	s6 =	simm.s32 $_scs_section_size  }
0x9c: {  	s7 =	simm.s32 $_size__tile_overlayer_lowered;
	s8 =	simm.s32 $_tile_overlayer_lowered  }
0x9d: {  	s23 =	simm.s32 $0x1BFF;
	s22 =	sshll.u32 s8, $0x1;
	s5 =	sadd.s32 s6, s20  }
0x9e: {  	s9 =	simm.s32 $0x0;
	s21 =	sshll.u32 s7, $0x1;
	s7 =	sadd.s32 s22, s5  }
0x9f: {  	[timem:s9], [sflag:s23] =	dma.local [hbm:s7], s21  }
0xa0: {  	_ =	swait.ge [sflag:s23], s21  }
0xa1: {  	s6 =	ssub.s32 $0x0, s21;
	[sflag:s23] =	ssyncset.done $0x0  }
0xa2: {  	[sflag:s23] =	ssyncadd.s32 s6;
	_ =	sdelay $0x1  }
0xa3: {  	s24 =	simm.s32 $0x1B8B  }
0xa4: {  	_ =	swait.ge [sflag:s24], $0x1  }
0xa5: {  	[sflag:s24] =	ssyncset.done $0x0  }
0xa6: {  	s25 =	simm.s32 $0x1B8E;
	[sflag:s24] =	ssyncadd.s32 $0xFFFFFFFF  }
0xa7: {  	s26 =	simm.s32 $execute0_lowered;
	[smem:$0x3FD2] =	sst s25  }
0xa8: {  	s6 =	sshll.u32 s26, $0x1;
	_ =	strace $0x80000046;
	[dreg:$0x1] =	wrdreg $0xFFFFFFFF  }
0xa9: {  	s28 =	simm.s32 $_size_execute0_lowered;
	s5 =	sadd.s32 s5, s6;
	[dreg:$0x0] =	wrdreg $0x0  }
0xaa: {  	s6 =	sshll.u32 s28, $0x1;
	[dreg:$0x2] =	wrdreg s5  }
0xab: {  	[dreg:$0x3] =	wrdreg s6  }
0xac: {  	[dreg:$0x4] =	wrdreg $0xC0  }
0xad: {  	_ =	task [dreg:s9], $0x5FFFF  }
0xae: {  	[dreg:$0x1] =	wrdreg $0xFFFFFFFF  }
0xaf: {  	[dreg:$0x0] =	wrdreg $0x60  }
0xb0: {  	[dreg:$0x2] =	wrdreg s2  }
0xb1: {  	[dreg:$0x3] =	wrdreg s19  }
0xb2: {  	[dreg:$0x4] =	wrdreg s4  }
0xb3: {  	[dreg:$0x5] =	wrdreg $0x9  }
0xb4: {  	_ =	task.clear_ibuf [dreg:s9], $0x6FFFF;
	_ =	strace $0x90000046  }
0xb5: {  	s29 =	simm.s32 $0x9;
	_ =	strace $0x80000048  }
0xb6: {  	_ =	swait.ge [sflag:s29], $0x1  }
0xb7: {  	[sflag:s29] =	ssyncadd.s32 $0xFFFFFFFF  }
0xb8: {  	_ =	strace $0x90000048  }
0xb9: {  	_ =	sfence  }
0xba: {  	s30 =	sld [smem:$0x0];
	_ =	sdelay $0x2  }
0xbb: {  	s31 =	sshll.u32 s1, $0xD;
	s1 =	sshrl.u32 s1, $0x2  }
0xbc: {  	s3 =	sand.u32 $0x4000, s31;
	s1 =	sadd.s32 s1, s30  }
0xbd: {  	s0 =	sor.u32 s3, s0;
	s1 =	sshll.u32 s1, $0x11  }
0xbe: {  	s0 =	sor.u32 s1, s0  }
0xbf: {  	s0 =	sadd.s32 $0x8F2B, s0  }
0xc0: {  	[sflag:s0] =	ssyncadd.remote.s32 $0x1  }
0xc1: {  	_ =	sfence.sel $0xFFFF  }
0xc2: {  	[dreg:$0x0] =	wrdreg $0xFFFFFFFF;
	(pc) =	sbr.abs _section_cstart, $3  }
0xc3: {  	[dreg:$0x1] =	wrdreg $0xFFFFFFFF  }
0xc4: {  	_ =	task.clear_ibuf [dreg:s9], $0x2FFFF;
	_ =	strace $0x9FFFFFFF  }
0xc5: {  	(tm) =	ssettm $0x7FFFFFFF  }
tec
execute0_lowered:
.L_overlay_start_1:
0x0: {  	(tag) =	ssettag $0x1  }
0x1: {  	s1 =	rddreg [dreg:$0x0]  }
0x2: {  	s3 =	rddreg [dreg:$0x1]  }
0x3: {  	s0 =	srdreg.scid;
	s2 =	stileid.u32  }
0x4: {  	s4 =	rddreg [dreg:$0x2];
	s5 =	simm.s32 $0x0;
	s12 =	simm.s32 $0x8000  }
0x5: {  	s13 =	simm.s32 $0x10000;
	s14 =	simm.s32 $0x18000;
	s15 =	simm.s32 $0x1  }
0x6: {  	s16 =	simm.s32 $0x2;
	s17 =	simm.s32 $0x3;
	s18 =	simm.s32 $0x4  }
0x7: {  	s19 =	simm.s32 $0x5;
	s0 =	sand.u32 $0x1, s0;
	s2 =	sshll.u32 s2, $0x1  }
0x8: {  	s20 =	simm.s32 $0x6;
	s21 =	simm.s32 $0x0;
	s2 =	sor.u32 s0, s2  }
0x9: {  	[smem:$0x7FF] =	sst s5;
	s0 =	ssub.s32 $0x2, s0;
	s11 =	smul.u32 $0x30000, s2  }
0xa: {  	_ =	strace $0x80000047;
	s7 =	sshrl.u32 s0, $0x1;
	s6 =	smul.u32 $0x180000, s2  }
0xb: {  	s0 =	ssub.s32 s0, s7;
	s7 =	sadd.s32 s1, s11;
	s8 =	sadd.s32 s3, s11  }
0xc: {  	s9 =	sor.u32 $0x10000, s6;
	s10 =	smax.u32 s0, $0x1;
	s11 =	sor.u32 $0x1000, s11  }
.LBB2_1:
0xd: {  	[tilespmem:s5], [sflag:$0x1] =	stream.linear.gather [hbm4b:s7+s5], $0x8000, $0x38;
	v63 =	vld [tilespmem:$0x0]  }
0xe: {  	s22 =	simm.s32 $0x0  }
0xf: {  	[tilespmem:s12], [sflag:$0x2] =	stream.linear.gather [hbm4b:s8+s5], $0x8000, $0x38;
	v63 =	vld [tilespmem:$0x0]  }
.LBB2_2:
0x10: {  	p0 =	seq.s32 s22, $0x0  }
0x11: {  	s0 =	simm.s32 @!p0 $0x6  }
0x12: {  	s2 =	sshll.u32 s22, $0xD;
	_ =	swait.ge @!p0 [sflag:s0], $0x8000  }
0x13: {  	s23 =	sadd.s32 s11, s2;
	[sflag:s0] =	ssyncset.done @!p0 $0x0  }
0x14: {  	s25 =	simm.s32 $0x0;
	s30 =	sadd.s32 s1, s23;
	[sflag:s0] =	ssyncadd.s32 @!p0 $0xFFFF8000  }
0x15: {  	[tilespmem:s13], [sflag:$0x3] =	stream.linear.gather [hbm4b:s30+s25], $0x8000, $0x38;
	v63 =	vld [tilespmem:$0x0]  }
0x16: {  	s31 =	sadd.s32 s3, s23  }
0x17: {  	[tilespmem:s14], [sflag:$0x4] =	stream.linear.gather [hbm4b:s31+s25], $0x8000, $0x38;
	v63 =	vld [tilespmem:$0x0]  }
0x18: {  	_ =	swait.ge [sflag:s15], $0x8000  }
0x19: {  	[sflag:s15] =	ssyncset.done $0x0  }
0x1a: {  	[sflag:s15] =	ssyncadd.s32 $0xFFFF8000  }
0x1b: {  	_ =	swait.ge [sflag:s16], $0x8000  }
0x1c: {  	s24 =	sshll.u32 s22, $0x10;
	[sflag:s16] =	ssyncset.done $0x0  }
0x1d: {  	s26 =	simm.s32 $0x0;
	s28 =	simm.s32 $0x0;
	[sflag:s16] =	ssyncadd.s32 $0xFFFF8000  }
.LBB2_3:
0x1e: {  	s0 =	sshll.u32 s26, $0x2;
	s2 =	sand.u32 $0x7, s25  }
0x1f: {  	s0 =	sand.u32 $0xFFFF0000, s0;
	s2 =	sshll.u32 s2, $0x9  }
0x20: {  	s0 =	sor.u32 s2, s0  }
0x21: {  	s0 =	sshrl.u32 s0, $0x2  }
0x22: {  	s29 =	sor.u32 $0x40, s0  }
0x23: {  	s30 =	sadd.s32 $0x8040, s0;
	v0 =	vld [tilespmem:s29+$0xFFFFFFC0]  }
0x24: {  	v1 =	vld [tilespmem:s30+$0xFFFFFFC0];
	_ =	sdelay $0x3  }
0x25: {  	vm0 =	vlt.f32 v0, $0.0e+00;
	vm1 =	vgt.f32 v0, $0.0e+00  }
0x26: {  	vm2 =	vne.s32 v1, $0x0;
	vm0 =	vmor vm1, vm0  }
0x27: {  	vm0 =	vmand vm0, vm2  }
0x28: {  	v0 =	vnsel vm0, $0xFF800000, v0  }
0x29: {  	v1 =	vld [tilespmem:s29+$0xFFFFFFD0];
	[tilespmem:s29+$0xFFFFFFC0] =	vst v0  }
0x2a: {  	v2 =	vld [tilespmem:s30+$0xFFFFFFD0];
	_ =	sdelay $0x3  }
0x2b: {  	vm7 =	vlt.f32 v1, $0.0e+00;
	vm8 =	vgt.f32 v1, $0.0e+00  }
0x2c: {  	vm0 =	vmor vm8, vm7;
	vm9 =	vne.s32 v2, $0x0  }
0x2d: {  	vm0 =	vmand vm0, vm9  }
0x2e: {  	v1 =	vnsel vm0, $0xFF800000, v1  }
0x2f: {  	v2 =	vld [tilespmem:s29+$0xFFFFFFE0];
	[tilespmem:s29+$0xFFFFFFD0] =	vst v1  }
0x30: {  	v3 =	vld [tilespmem:s30+$0xFFFFFFE0];
	_ =	sdelay $0x3  }
0x31: {  	vm10 =	vlt.f32 v2, $0.0e+00;
	vm11 =	vgt.f32 v2, $0.0e+00  }
0x32: {  	vm0 =	vmor vm11, vm10;
	vm12 =	vne.s32 v3, $0x0  }
0x33: {  	vm0 =	vmand vm0, vm12  }
0x34: {  	v2 =	vnsel vm0, $0xFF800000, v2  }
0x35: {  	v3 =	vld [tilespmem:s29+$0xFFFFFFF0];
	[tilespmem:s29+$0xFFFFFFE0] =	vst v2  }
0x36: {  	v4 =	vld [tilespmem:s30+$0xFFFFFFF0];
	_ =	sdelay $0x3  }
0x37: {  	vm13 =	vlt.f32 v3, $0.0e+00;
	vm14 =	vgt.f32 v3, $0.0e+00  }
0x38: {  	vm0 =	vmor vm14, vm13;
	vm15 =	vne.s32 v4, $0x0  }
0x39: {  	vm0 =	vmand vm0, vm15  }
0x3a: {  	v3 =	vnsel vm0, $0xFF800000, v3  }
0x3b: {  	v59 =	vld [tilespmem:s29+$0x0];
	[tilespmem:s29+$0xFFFFFFF0] =	vst v3  }
0x3c: {  	v5 =	vld [tilespmem:s30+$0x0];
	_ =	sdelay $0x3  }
0x3d: {  	vm4 =	vlt.f32 v59, $0.0e+00;
	vm5 =	vgt.f32 v59, $0.0e+00  }
0x3e: {  	vm0 =	vmor vm5, vm4;
	vm6 =	vne.s32 v5, $0x0  }
0x3f: {  	vm0 =	vmand vm0, vm6  }
0x40: {  	v4 =	vnsel vm0, $0xFF800000, v59  }
0x41: {  	v60 =	vld [tilespmem:s29+$0x10];
	[tilespmem:s29+$0x0] =	vst v4  }
0x42: {  	v6 =	vld [tilespmem:s30+$0x10];
	_ =	sdelay $0x3  }
0x43: {  	vm7 =	vlt.f32 v60, $0.0e+00;
	vm8 =	vgt.f32 v60, $0.0e+00  }
0x44: {  	vm0 =	vmor vm8, vm7;
	vm9 =	vne.s32 v6, $0x0  }
0x45: {  	vm0 =	vmand vm0, vm9  }
0x46: {  	v5 =	vnsel vm0, $0xFF800000, v60  }
0x47: {  	v61 =	vld [tilespmem:s29+$0x20];
	[tilespmem:s29+$0x10] =	vst v5  }
0x48: {  	v7 =	vld [tilespmem:s30+$0x20];
	_ =	sdelay $0x3  }
0x49: {  	vm10 =	vlt.f32 v61, $0.0e+00;
	vm11 =	vgt.f32 v61, $0.0e+00  }
0x4a: {  	vm0 =	vmor vm11, vm10;
	vm12 =	vne.s32 v7, $0x0  }
0x4b: {  	vm0 =	vmand vm0, vm12  }
0x4c: {  	v6 =	vnsel vm0, $0xFF800000, v61  }
0x4d: {  	v62 =	vld [tilespmem:s29+$0x30];
	[tilespmem:s29+$0x20] =	vst v6  }
0x4e: {  	v8 =	vimm.f32 $-Inf;
	v9 =	vld [tilespmem:s30+$0x30]  }
0x4f: {  	v0 =	vmax.f32 v8, v0  }
0x50: {  	v0 =	vmax.f32 v0, v1  }
0x51: {  	v0 =	vmax.f32 v0, v2  }
0x52: {  	vm13 =	vlt.f32 v62, $0.0e+00;
	vm14 =	vgt.f32 v62, $0.0e+00;
	v0 =	vmax.f32 v0, v3  }
0x53: {  	v0 =	vmax.f32 v0, v4;
	vm0 =	vmor vm14, vm13;
	vm15 =	vne.s32 v9, $0x0  }
0x54: {  	v0 =	vmax.f32 v0, v5;
	vm0 =	vmand vm0, vm15  }
0x55: {  	s2 =	simm.s32 $0x0;
	s0 =	sadd.s32 $0x400, s29;
	s31 =	smov.u32 s29;
	v1 =	vmax.f32 v0, v6;
	v0 =	vnsel vm0, $0xFF800000, v62  }
.LBB2_4:
0x56: {  	v2 =	vld [tilespmem:s0+$0xFFFFFFC0];
	s2 =	sadd.s32 $0x8, s2;
	[tilespmem:s31+$0x30] =	vst v0;
	v0 =	vmax.f32 v1, v0;
	s30 =	sadd.s32 $0x400, s30;
	s31 =	smov.u32 s0  }
0x57: {  	v1 =	vld [tilespmem:s30+$0xFFFFFFC0];
	p0 =	slt.u32 s2, $0x78;
	_ =	sdelay $0x3  }
0x58: {  	vm0 =	vlt.f32 v2, $0.0e+00;
	vm1 =	vgt.f32 v2, $0.0e+00  }
0x59: {  	vm2 =	vne.s32 v1, $0x0;
	vm0 =	vmor vm1, vm0  }
0x5a: {  	vm0 =	vmand vm0, vm2  }
0x5b: {  	v1 =	vnsel vm0, $0xFF800000, v2  }
0x5c: {  	[tilespmem:s0+$0xFFFFFFC0] =	vst v1;
	v0 =	vmax.f32 v0, v1;
	v1 =	vld [tilespmem:s0+$0xFFFFFFD0]  }
0x5d: {  	v2 =	vld [tilespmem:s30+$0xFFFFFFD0];
	_ =	sdelay $0x3  }
0x5e: {  	vm0 =	vlt.f32 v1, $0.0e+00;
	vm1 =	vgt.f32 v1, $0.0e+00  }
0x5f: {  	vm2 =	vne.s32 v2, $0x0;
	vm0 =	vmor vm1, vm0  }
0x60: {  	vm0 =	vmand vm0, vm2  }
0x61: {  	v1 =	vnsel vm0, $0xFF800000, v1  }
0x62: {  	[tilespmem:s0+$0xFFFFFFD0] =	vst v1;
	v0 =	vmax.f32 v0, v1;
	v1 =	vld [tilespmem:s0+$0xFFFFFFE0]  }
0x63: {  	v2 =	vld [tilespmem:s30+$0xFFFFFFE0];
	_ =	sdelay $0x3  }
0x64: {  	vm0 =	vlt.f32 v1, $0.0e+00;
	vm1 =	vgt.f32 v1, $0.0e+00  }
0x65: {  	vm2 =	vne.s32 v2, $0x0;
	vm0 =	vmor vm1, vm0  }
0x66: {  	vm0 =	vmand vm0, vm2  }
0x67: {  	v1 =	vnsel vm0, $0xFF800000, v1  }
0x68: {  	[tilespmem:s0+$0xFFFFFFE0] =	vst v1;
	v0 =	vmax.f32 v0, v1;
	v1 =	vld [tilespmem:s0+$0xFFFFFFF0]  }
0x69: {  	v2 =	vld [tilespmem:s30+$0xFFFFFFF0];
	_ =	sdelay $0x3  }
0x6a: {  	vm0 =	vlt.f32 v1, $0.0e+00;
	vm1 =	vgt.f32 v1, $0.0e+00  }
0x6b: {  	vm2 =	vne.s32 v2, $0x0;
	vm0 =	vmor vm1, vm0  }
0x6c: {  	vm0 =	vmand vm0, vm2  }
0x6d: {  	v1 =	vnsel vm0, $0xFF800000, v1  }
0x6e: {  	[tilespmem:s0+$0xFFFFFFF0] =	vst v1;
	v0 =	vmax.f32 v0, v1;
	v1 =	vld [tilespmem:s0+$0x0]  }
0x6f: {  	v2 =	vld [tilespmem:s30+$0x0];
	_ =	sdelay $0x3  }
0x70: {  	vm0 =	vlt.f32 v1, $0.0e+00;
	vm1 =	vgt.f32 v1, $0.0e+00  }
0x71: {  	vm2 =	vne.s32 v2, $0x0;
	vm0 =	vmor vm1, vm0  }
0x72: {  	vm0 =	vmand vm0, vm2  }
0x73: {  	v1 =	vnsel vm0, $0xFF800000, v1  }
0x74: {  	[tilespmem:s0+$0x0] =	vst v1;
	v0 =	vmax.f32 v0, v1;
	v1 =	vld [tilespmem:s0+$0x10]  }
0x75: {  	v2 =	vld [tilespmem:s30+$0x10];
	_ =	sdelay $0x3  }
0x76: {  	vm0 =	vlt.f32 v1, $0.0e+00;
	vm1 =	vgt.f32 v1, $0.0e+00  }
0x77: {  	vm2 =	vne.s32 v2, $0x0;
	vm0 =	vmor vm1, vm0  }
0x78: {  	vm0 =	vmand vm0, vm2  }
0x79: {  	v1 =	vnsel vm0, $0xFF800000, v1  }
0x7a: {  	[tilespmem:s0+$0x10] =	vst v1;
	v0 =	vmax.f32 v0, v1;
	v1 =	vld [tilespmem:s0+$0x20]  }
0x7b: {  	v2 =	vld [tilespmem:s30+$0x20];
	_ =	sdelay $0x3  }
0x7c: {  	vm0 =	vlt.f32 v1, $0.0e+00;
	vm1 =	vgt.f32 v1, $0.0e+00  }
0x7d: {  	vm2 =	vne.s32 v2, $0x0;
	vm0 =	vmor vm1, vm0  }
0x7e: {  	vm0 =	vmand vm0, vm2  }
0x7f: {  	v1 =	vnsel vm0, $0xFF800000, v1  }
0x80: {  	[tilespmem:s0+$0x20] =	vst v1;
	v1 =	vmax.f32 v0, v1;
	v0 =	vld [tilespmem:s0+$0x30]  }
0x81: {  	v2 =	vld [tilespmem:s30+$0x30];
	_ =	sdelay $0x2  }
.Ltmp0:
0x82: {  	(pc) =	sbr.rel @p0 .LBB2_4-.Ltmp0, $4  }
0x83: {  	vm0 =	vlt.f32 v0, $0.0e+00;
	vm1 =	vgt.f32 v0, $0.0e+00  }
0x84: {  	vm2 =	vne.s32 v2, $0x0;
	vm0 =	vmor vm1, vm0  }
0x85: {  	vm0 =	vmand vm0, vm2  }
0x86: {  	s0 =	sadd.s32 $0x400, s0;
	v0 =	vnsel vm0, $0xFF800000, v0  }
0x87: {  	v1 =	vmax.f32 v1, v0  }
0x88: {  	(v2sf) =	vpush v1, $0x0  }
0x89: {  	(v2sf) =	vpush v1, $0x1  }
0x8a: {  	(v2sf) =	vpush v1, $0x2  }
0x8b: {  	(v2sf) =	vpush v1, $0x3  }
0x8c: {  	(v2sf) =	vpush v1, $0x4  }
0x8d: {  	(v2sf) =	vpush v1, $0x5  }
0x8e: {  	(v2sf) =	vpush v1, $0x6  }
0x8f: {  	(v2sf) =	vpush v1, $0x7  }
0x90: {  	(v2sf) =	vpush v1, $0x8  }
0x91: {  	(v2sf) =	vpush v1, $0x9  }
0x92: {  	(v2sf) =	vpush v1, $0xA  }
0x93: {  	(v2sf) =	vpush v1, $0xB  }
0x94: {  	(v2sf) =	vpush v1, $0xC  }
0x95: {  	(v2sf) =	vpush v1, $0xD  }
0x96: {  	(v2sf) =	vpush v1, $0xE  }
0x97: {  	s0 =	spop (v2sf);
	(v2sf) =	vpush v1, $0xF  }
0x98: {  	s2 =	spop (v2sf)  }
0x99: {  	s0 =	smax.f32 s0, s2;
	s2 =	spop (v2sf)  }
0x9a: {  	s0 =	smax.f32 s0, s2;
	s2 =	spop (v2sf)  }
0x9b: {  	s0 =	smax.f32 s0, s2;
	s2 =	spop (v2sf)  }
0x9c: {  	s0 =	smax.f32 s0, s2;
	s2 =	spop (v2sf)  }
0x9d: {  	s0 =	smax.f32 s0, s2;
	s2 =	spop (v2sf)  }
0x9e: {  	s0 =	smax.f32 s0, s2;
	s2 =	spop (v2sf)  }
0x9f: {  	s0 =	smax.f32 s0, s2;
	s2 =	spop (v2sf)  }
0xa0: {  	s0 =	smax.f32 s0, s2;
	s2 =	spop (v2sf)  }
0xa1: {  	s0 =	smax.f32 s0, s2;
	s2 =	spop (v2sf)  }
0xa2: {  	s0 =	smax.f32 s0, s2;
	s2 =	spop (v2sf)  }
0xa3: {  	s0 =	smax.f32 s0, s2;
	s2 =	spop (v2sf)  }
0xa4: {  	s0 =	smax.f32 s0, s2;
	s2 =	spop (v2sf)  }
0xa5: {  	s0 =	smax.f32 s0, s2;
	s2 =	spop (v2sf)  }
0xa6: {  	[tilespmem:s31+$0x30] =	vst v0;
	s0 =	smax.f32 s0, s2;
	s31 =	spop (v2sf)  }
0xa7: {  	v1 =	vld [tilespmem:s29+$0xFFFFFFC0];
	s0 =	smax.f32 s0, s31  }
0xa8: {  	p0 =	seq.f32 s0, $-Inf  }
0xa9: {  	v2 =	vld [tilespmem:s29+$0xFFFFFFD0]  }
0xaa: {  	s0 =	simm.s32 @p0 $0x0  }
0xab: {  	v3 =	vld [tilespmem:s29+$0xFFFFFFE0];
	v0 =	vmov s0  }
0xac: {  	v1 =	vsub.f32 v1, v0  }
0xad: {  	v4 =	vld [tilespmem:s29+$0xFFFFFFF0]  }
0xae: {  	v5 =	vld [tilespmem:s29+$0x0];
	v2 =	vsub.f32 v2, v0;
	v1 =	vmul.f32 $1.442695020e+00, v1;
	_ =	sdelay $0x1  }
0xaf: {  	v2 =	vmul.f32 $1.442695020e+00, v2;
	(erf) = vpow2.f32 v1;
	v1 =	vsub.f32 v3, v0  }
0xb0: {  	v3 =	vld [tilespmem:s29+$0x10]  }
0xb1: {  	v4 =	vsub.f32 v4, v0;
	(erf) = vpow2.f32 v2;
	v2 =	vld [tilespmem:s29+$0x20];
	v1 =	vmul.f32 $1.442695020e+00, v1  }
0xb2: {  	v5 =	vsub.f32 v5, v0  }
0xb3: {  	v4 =	vmul.f32 $1.442695020e+00, v4;
	(erf) = vpow2.f32 v1  }
0xb4: {  	v1 =	vmul.f32 $1.442695020e+00, v5  }
0xb5: {  	v5 =	vld [tilespmem:s29+$0x30];
	v3 =	vsub.f32 v3, v0;
	(erf) = vpow2.f32 v4  }
0xb6: {  	v2 =	vsub.f32 v2, v0  }
0xb7: {  	v4 =	vimm.f32 $0.0e+00;
	(erf) = vpow2.f32 v1;
	v3 =	vmul.f32 $1.442695020e+00, v3  }
0xb8: {  	v2 =	vmul.f32 $1.442695020e+00, v2;
	v1 =	vpop (erf)  }
0xb9: {  	s30 =	sadd.s32 $0x400, s29;
	(erf) = vpow2.f32 v3;
	[tilespmem:s29+$0xFFFFFFC0] =	vst v1;
	v1 =	vadd.f32 v1, v4  }
0xba: {  	v5 =	vsub.f32 v5, v0;
	v4 =	vpop (erf);
	(erf) = vpow2.f32 v2;
	v3 =	vld [tilespmem:s30+$0xFFFFFFC0]  }
0xbb: {  	[tilespmem:s29+$0xFFFFFFD0] =	vst v4;
	v1 =	vadd.f32 v4, v1  }
0xbc: {  	v5 =	vmul.f32 $1.442695020e+00, v5;
	v2 =	vld [tilespmem:s30+$0xFFFFFFD0];
	v4 =	vpop (erf)  }
0xbd: {  	v1 =	vadd.f32 v4, v1  }
0xbe: {  	(erf) = vpow2.f32 v5;
	[tilespmem:s29+$0xFFFFFFE0] =	vst v4;
	v4 =	vpop (erf)  }
0xbf: {  	v6 =	vld [tilespmem:s30+$0xFFFFFFE0];
	[tilespmem:s29+$0xFFFFFFF0] =	vst v4;
	v4 =	vadd.f32 v4, v1;
	v3 =	vsub.f32 v3, v0  }
0xc0: {  	v8 =	vpop (erf);
	v7 =	vld [tilespmem:s30+$0xFFFFFFF0]  }
0xc1: {  	[tilespmem:s29+$0x0] =	vst v8;
	v2 =	vsub.f32 v2, v0;
	v4 =	vadd.f32 v8, v4;
	v3 =	vmul.f32 $1.442695020e+00, v3  }
0xc2: {  	v1 =	vld [tilespmem:s30+$0x0];
	v8 =	vpop (erf)  }
0xc3: {  	[tilespmem:s29+$0x10] =	vst v8;
	v9 =	vmul.f32 $1.442695020e+00, v2;
	v4 =	vadd.f32 v8, v4;
	v8 =	vpop (erf);
	(erf) = vpow2.f32 v3  }
0xc4: {  	v6 =	vsub.f32 v6, v0;
	v2 =	vld [tilespmem:s30+$0x10]  }
0xc5: {  	v5 =	vsub.f32 v7, v0;
	[tilespmem:s29+$0x20] =	vst v8;
	(erf) = vpow2.f32 v9  }
0xc6: {  	s2 =	smov.u32 s29;
	s0 =	simm.s32 $0x8;
	v6 =	vmul.f32 $1.442695020e+00, v6;
	v3 =	vld [tilespmem:s30+$0x20];
	v4 =	vadd.f32 v8, v4  }
.LBB2_6:
0xc7: {  	s0 =	sadd.s32 $0x8, s0;
	v5 =	vmul.f32 $1.442695020e+00, v5;
	v1 =	vsub.f32 v1, v0;
	v7 =	vpop (erf)  }
0xc8: {  	p0 =	slt.u32 s0, $0x78;
	(erf) = vpow2.f32 v6;
	[tilespmem:s2+$0x30] =	vst v7;
	v4 =	vadd.f32 v7, v4;
	s2 =	smov.u32 s30  }
0xc9: {  	v7 =	vmul.f32 $1.442695020e+00, v1;
	v2 =	vsub.f32 v2, v0;
	v6 =	vld [tilespmem:s30+$0x30];
	(erf) = vpow2.f32 v5;
	_ =	sdelay $0x1  }
0xca: {  	v2 =	vmul.f32 $1.442695020e+00, v2;
	v3 =	vsub.f32 v3, v0;
	(erf) = vpow2.f32 v7  }
0xcb: {  	v1 =	vpop (erf)  }
0xcc: {  	s30 =	sadd.s32 $0x400, s30;
	[tilespmem:s2+$0xFFFFFFC0] =	vst v1;
	v1 =	vadd.f32 v1, v4;
	v3 =	vmul.f32 $1.442695020e+00, v3;
	(erf) = vpow2.f32 v2  }
0xcd: {  	v2 =	vld [tilespmem:s30+$0xFFFFFFC0];
	v4 =	vsub.f32 v6, v0;
	v5 =	vpop (erf)  }
0xce: {  	[tilespmem:s2+$0xFFFFFFD0] =	vst v5;
	v1 =	vadd.f32 v5, v1;
	(erf) = vpow2.f32 v3  }
0xcf: {  	v3 =	vld [tilespmem:s30+$0xFFFFFFD0];
	v4 =	vmul.f32 $1.442695020e+00, v4  }
0xd0: {  	v5 =	vpop (erf)  }
0xd1: {  	[tilespmem:s2+$0xFFFFFFE0] =	vst v5;
	v1 =	vadd.f32 v5, v1;
	v5 =	vpop (erf);
	(erf) = vpow2.f32 v4  }
0xd2: {  	v2 =	vsub.f32 v2, v0;
	v4 =	vld [tilespmem:s30+$0xFFFFFFE0];
	[tilespmem:s2+$0xFFFFFFF0] =	vst v5  }
0xd3: {  	v6 =	vld [tilespmem:s30+$0xFFFFFFF0];
	v5 =	vadd.f32 v5, v1;
	v7 =	vpop (erf)  }
0xd4: {  	v2 =	vmul.f32 $1.442695020e+00, v2;
	v3 =	vsub.f32 v3, v0;
	[tilespmem:s2+$0x0] =	vst v7  }
.Ltmp1:
0xd5: {  	v1 =	vld [tilespmem:s30+$0x0];
	v5 =	vadd.f32 v7, v5;
	v7 =	vpop (erf);
	(pc) =	sbr.rel @p0 .LBB2_6-.Ltmp1, $4  }
0xd6: {  	v3 =	vmul.f32 $1.442695020e+00, v3;
	(erf) = vpow2.f32 v2;
	[tilespmem:s2+$0x10] =	vst v7  }
0xd7: {  	v4 =	vsub.f32 v4, v0;
	v2 =	vld [tilespmem:s30+$0x10];
	v7 =	vadd.f32 v7, v5;
	v8 =	vpop (erf)  }
0xd8: {  	v5 =	vsub.f32 v6, v0;
	(erf) = vpow2.f32 v3;
	[tilespmem:s2+$0x20] =	vst v8  }
0xd9: {  	v6 =	vmul.f32 $1.442695020e+00, v4;
	v3 =	vld [tilespmem:s30+$0x20];
	v4 =	vadd.f32 v8, v7  }
0xda: {  	v7 =	vpop (erf)  }
0xdb: {  	v1 =	vsub.f32 v1, v0;
	[tilespmem:s2+$0x30] =	vst v7  }
0xdc: {  	v5 =	vmul.f32 $1.442695020e+00, v5;
	(erf) = vpow2.f32 v6;
	v6 =	vld [tilespmem:s30+$0x30]  }
0xdd: {  	v1 =	vmul.f32 $1.442695020e+00, v1;
	v2 =	vsub.f32 v2, v0  }
0xde: {  	(erf) = vpow2.f32 v5  }
0xdf: {  	v2 =	vmul.f32 $1.442695020e+00, v2;
	v3 =	vsub.f32 v3, v0  }
0xe0: {  	v4 =	vadd.f32 v7, v4;
	(erf) = vpow2.f32 v1  }
0xe1: {  	v1 =	vpop (erf);
	v3 =	vmul.f32 $1.442695020e+00, v3;
	v0 =	vsub.f32 v6, v0  }
0xe2: {  	(erf) = vpow2.f32 v2;
	v4 =	vadd.f32 v1, v4  }
0xe3: {  	v2 =	vpop (erf);
	v0 =	vmul.f32 $1.442695020e+00, v0  }
0xe4: {  	(erf) = vpow2.f32 v3;
	v4 =	vadd.f32 v2, v4  }
0xe5: {  	v3 =	vpop (erf)  }
0xe6: {  	v4 =	vadd.f32 v3, v4;
	(erf) = vpow2.f32 v0  }
0xe7: {  	v0 =	vpop (erf)  }
0xe8: {  	v4 =	vadd.f32 v0, v4  }
0xe9: {  	v5 =	vpop (erf)  }
0xea: {  	v4 =	vadd.f32 v5, v4  }
0xeb: {  	v6 =	vpop (erf)  }
0xec: {  	v4 =	vadd.f32 v6, v4  }
0xed: {  	v7 =	vpop (erf)  }
0xee: {  	v4 =	vadd.f32 v7, v4  }
0xef: {  	v8 =	vpop (erf)  }
0xf0: {  	v4 =	vadd.f32 v8, v4;
	_ =	sdelay $0x1  }
0xf1: {  	(v2sf) =	vpush v4, $0x0  }
0xf2: {  	(v2sf) =	vpush v4, $0x1;
	_ =	sdelay $0x1  }
0xf3: {  	(v2sf) =	vpush v4, $0x2;
	_ =	sdelay $0x1  }
0xf4: {  	(v2sf) =	vpush v4, $0x3;
	_ =	sdelay $0x1  }
0xf5: {  	(v2sf) =	vpush v4, $0x4;
	_ =	sdelay $0x1  }
0xf6: {  	(v2sf) =	vpush v4, $0x5;
	_ =	sdelay $0x1  }
0xf7: {  	(v2sf) =	vpush v4, $0x6;
	_ =	sdelay $0x1  }
0xf8: {  	(v2sf) =	vpush v4, $0x7;
	_ =	sdelay $0x1  }
0xf9: {  	s0 =	spop (v2sf);
	(v2sf) =	vpush v4, $0x8  }
0xfa: {  	s31 =	spop (v2sf)  }
0xfb: {  	(v2sf) =	vpush v4, $0x9;
	s0 =	sadd.f32 s31, s0  }
0xfc: {  	s31 =	spop (v2sf)  }
0xfd: {  	(v2sf) =	vpush v4, $0xA;
	s0 =	sadd.f32 s0, s31  }
0xfe: {  	s31 =	spop (v2sf)  }
0xff: {  	(v2sf) =	vpush v4, $0xB;
	s0 =	sadd.f32 s0, s31  }
0x100: {  	s31 =	spop (v2sf)  }
0x101: {  	(v2sf) =	vpush v4, $0xC;
	s0 =	sadd.f32 s0, s31  }
0x102: {  	s31 =	spop (v2sf)  }
0x103: {  	(v2sf) =	vpush v4, $0xD;
	s0 =	sadd.f32 s0, s31  }
0x104: {  	s31 =	spop (v2sf)  }
0x105: {  	(v2sf) =	vpush v4, $0xE;
	s0 =	sadd.f32 s0, s31  }
0x106: {  	s31 =	spop (v2sf)  }
0x107: {  	(v2sf) =	vpush v4, $0xF;
	s0 =	sadd.f32 s0, s31  }
0x108: {  	s31 =	spop (v2sf)  }
0x109: {  	s0 =	sadd.f32 s0, s31  }
0x10a: {  	s31 =	spop (v2sf)  }
0x10b: {  	s0 =	sadd.f32 s0, s31  }
0x10c: {  	s31 =	spop (v2sf)  }
0x10d: {  	s0 =	sadd.f32 s0, s31  }
0x10e: {  	s31 =	spop (v2sf)  }
0x10f: {  	s0 =	sadd.f32 s0, s31  }
0x110: {  	s31 =	spop (v2sf)  }
0x111: {  	s0 =	sadd.f32 s0, s31  }
0x112: {  	s31 =	spop (v2sf)  }
0x113: {  	s0 =	sadd.f32 s0, s31  }
0x114: {  	s31 =	spop (v2sf)  }
0x115: {  	s0 =	sadd.f32 s0, s31  }
0x116: {  	s31 =	spop (v2sf)  }
0x117: {  	s0 =	sadd.f32 s0, s31;
	_ =	sdelay $0x1  }
0x118: {  	p0 =	seq.f32 s0, $0.0e+00  }
0x119: {  	[tilespmem:s30+$0xFFFFFFC0] =	vst v1  }
0x11a: {  	[tilespmem:s30+$0xFFFFFFD0] =	vst v2;
	s0 =	simm.s32 @p0 $0x3F800000  }
0x11b: {  	[tilespmem:s30+$0xFFFFFFE0] =	vst v3;
	v1 =	vmov s0  }
0x11c: {  	[tilespmem:s30+$0xFFFFFFF0] =	vst v0;
	(erf) = vrcp.f32 v1  }
0x11d: {  	[tilespmem:s30+$0x0] =	vst v5  }
0x11e: {  	[tilespmem:s30+$0x10] =	vst v6  }
0x11f: {  	[tilespmem:s30+$0x20] =	vst v7  }
0x120: {  	[tilespmem:s30+$0x30] =	vst v8  }
0x121: {  	v2 =	vld [tilespmem:s29+$0xFFFFFFC0];
	_ =	sdelay $0x1  }
0x122: {  	v5 =	vld [tilespmem:s29+$0xFFFFFFD0]  }
0x123: {  	v7 =	vld [tilespmem:s29+$0xFFFFFFE0]  }
0x124: {  	v3 =	vld [tilespmem:s29+$0x0];
	v0 =	vpop (erf)  }
0x125: {  	v1 =	vld [tilespmem:s29+$0x10];
	v6 =	vmul.f32 v2, v0  }
0x126: {  	v4 =	vld [tilespmem:s29+$0x20]  }
0x127: {  	v2 =	vld [tilespmem:s29+$0x30];
	[tilespmem:s29+$0xFFFFFFC0] =	vst v6;
	v6 =	vmul.f32 v5, v0  }
0x128: {  	s2 =	sadd.s32 $0x400, s29;
	s0 =	simm.s32 $0x0;
	v7 =	vmul.f32 v7, v0;
	v5 =	vld [tilespmem:s29+$0xFFFFFFF0]  }
.LBB2_8:
0x129: {  	v8 =	vld [tilespmem:s2+$0xFFFFFFC0];
	[tilespmem:s29+$0xFFFFFFD0] =	vst v6;
	v3 =	vmul.f32 v3, v0  }
0x12a: {  	s0 =	sadd.s32 $0x8, s0;
	v6 =	vld [tilespmem:s2+$0xFFFFFFD0];
	[tilespmem:s29+$0xFFFFFFE0] =	vst v7;
	v1 =	vmul.f32 v1, v0  }
0x12b: {  	p0 =	slt.u32 s0, $0x78;
	v7 =	vld [tilespmem:s2+$0xFFFFFFE0];
	[tilespmem:s29+$0x0] =	vst v3;
	v4 =	vmul.f32 v4, v0  }
.Ltmp2:
0x12c: {  	v3 =	vld [tilespmem:s2+$0x0];
	[tilespmem:s29+$0x10] =	vst v1;
	v2 =	vmul.f32 v2, v0;
	(pc) =	sbr.rel @p0 .LBB2_8-.Ltmp2, $4  }
0x12d: {  	v1 =	vld [tilespmem:s2+$0x10];
	v5 =	vmul.f32 v5, v0;
	[tilespmem:s29+$0x20] =	vst v4  }
0x12e: {  	v8 =	vmul.f32 v8, v0;
	v4 =	vld [tilespmem:s2+$0x20];
	[tilespmem:s29+$0x30] =	vst v2  }
0x12f: {  	v6 =	vmul.f32 v6, v0;
	v2 =	vld [tilespmem:s2+$0x30];
	[tilespmem:s29+$0xFFFFFFF0] =	vst v5;
	s29 =	smov.u32 s2  }
0x130: {  	s2 =	sadd.s32 $0x400, s2;
	[tilespmem:s29+$0xFFFFFFC0] =	vst v8;
	v7 =	vmul.f32 v7, v0;
	v5 =	vld [tilespmem:s29+$0xFFFFFFF0]  }
0x131: {  	[tilespmem:s29+$0xFFFFFFD0] =	vst v6;
	v3 =	vmul.f32 v3, v0;
	s28 =	sadd.s32 $0x1, s28  }
0x132: {  	[tilespmem:s29+$0xFFFFFFE0] =	vst v7;
	v1 =	vmul.f32 v1, v0;
	p0 =	sne.s32 s28, $0x10  }
.Ltmp3:
0x133: {  	[tilespmem:s29+$0x0] =	vst v3;
	v60 =	vmul.f32 v4, v0;
	(pc) =	sbr.rel @p0 .LBB2_3-.Ltmp3, $4  }
0x134: {  	[tilespmem:s29+$0x10] =	vst v1;
	v61 =	vmul.f32 v2, v0  }
0x135: {  	v62 =	vmul.f32 v5, v0;
	[tilespmem:s29+$0x20] =	vst v60  }
0x136: {  	[tilespmem:s29+$0x30] =	vst v61  }
0x137: {  	s26 =	sadd.s32 $0x800, s26;
	s25 =	sadd.s32 $0x1, s25;
	[tilespmem:s29+$0xFFFFFFF0] =	vst v62  }
0x138: {  	s0 =	sadd.s32 s6, s24  }
0x139: {  	s0 =	sshrl.u32 s0, $0x3  }
0x13a: {  	p0 =	seq.s32 s22, $0x17;
	s0 =	sadd.s32 s4, s0  }
0x13b: {  	[hbm4b:s0+s5] =	stream.linear.scatter [tilespmem:s5], [sflag:$0x5], $0x8000, $0x38;
	v63 =	vld [tilespmem:$0x0]  }
0x13c: {  	s0 =	simm.s32 @!p0 $0x5  }
0x13d: {  	s2 =	sadd.s32 @!p0 s24, s9;
	_ =	swait.ge @!p0 [sflag:s0], $0x8000  }
0x13e: {  	s2 =	sshrl.u32 @!p0 s2, $0x3;
	[sflag:s0] =	ssyncset.done @!p0 $0x0  }
0x13f: {  	s24 =	simm.s32 @!p0 $0x0;
	[sflag:s0] =	ssyncadd.s32 @!p0 $0xFFFF8000;
	s0 =	sadd.s32 @!p0 s1, s2  }
0x140: {  	[tilespmem:s24], [sflag:$0x1] =	stream.linear.gather @!p0 [hbm4b:s0+s24], $0x8000, $0x38;
	v63 =	vld [tilespmem:$0x0]  }
0x141: {  	s0 =	sadd.s32 @!p0 s3, s2;
	s2 =	simm.s32 @!p0 $0x8000  }
0x142: {  	[tilespmem:s2], [sflag:$0x2] =	stream.linear.gather @!p0 [hbm4b:s0+s24], $0x8000, $0x38;
	v63 =	vld [tilespmem:$0x0]  }
0x143: {  	_ =	swait.ge [sflag:s17], $0x8000  }
0x144: {  	[sflag:s17] =	ssyncset.done $0x0  }
0x145: {  	[sflag:s17] =	ssyncadd.s32 $0xFFFF8000  }
0x146: {  	_ =	swait.ge [sflag:s18], $0x8000  }
0x147: {  	s25 =	simm.s32 $0x0;
	[sflag:s18] =	ssyncset.done $0x0  }
0x148: {  	s26 =	simm.s32 $0x0;
	s24 =	simm.s32 $0x0;
	[sflag:s18] =	ssyncadd.s32 $0xFFFF8000  }
.LBB2_11:
0x149: {  	s0 =	sshll.u32 s25, $0x2;
	s2 =	sand.u32 $0x7, s24  }
0x14a: {  	s0 =	sand.u32 $0xFFFF0000, s0;
	s2 =	sshll.u32 s2, $0x9  }
0x14b: {  	s0 =	sor.u32 s2, s0  }
0x14c: {  	s0 =	sshrl.u32 s0, $0x2  }
0x14d: {  	s28 =	sadd.s32 $0x10040, s0  }
0x14e: {  	s29 =	sadd.s32 $0x18040, s0;
	v0 =	vld [tilespmem:s28+$0xFFFFFFC0]  }
0x14f: {  	v1 =	vld [tilespmem:s29+$0xFFFFFFC0];
	_ =	sdelay $0x3  }
0x150: {  	vm0 =	vlt.f32 v0, $0.0e+00;
	vm1 =	vgt.f32 v0, $0.0e+00  }
0x151: {  	vm2 =	vne.s32 v1, $0x0;
	vm0 =	vmor vm1, vm0  }
0x152: {  	vm0 =	vmand vm0, vm2  }
0x153: {  	v0 =	vnsel vm0, $0xFF800000, v0  }
0x154: {  	v1 =	vld [tilespmem:s28+$0xFFFFFFD0];
	[tilespmem:s28+$0xFFFFFFC0] =	vst v0  }
0x155: {  	v2 =	vld [tilespmem:s29+$0xFFFFFFD0];
	_ =	sdelay $0x3  }
0x156: {  	vm7 =	vlt.f32 v1, $0.0e+00;
	vm8 =	vgt.f32 v1, $0.0e+00  }
0x157: {  	vm0 =	vmor vm8, vm7;
	vm9 =	vne.s32 v2, $0x0  }
0x158: {  	vm0 =	vmand vm0, vm9  }
0x159: {  	v1 =	vnsel vm0, $0xFF800000, v1  }
0x15a: {  	v2 =	vld [tilespmem:s28+$0xFFFFFFE0];
	[tilespmem:s28+$0xFFFFFFD0] =	vst v1  }
0x15b: {  	v3 =	vld [tilespmem:s29+$0xFFFFFFE0];
	_ =	sdelay $0x3  }
0x15c: {  	vm10 =	vlt.f32 v2, $0.0e+00;
	vm11 =	vgt.f32 v2, $0.0e+00  }
0x15d: {  	vm0 =	vmor vm11, vm10;
	vm12 =	vne.s32 v3, $0x0  }
0x15e: {  	vm0 =	vmand vm0, vm12  }
0x15f: {  	v2 =	vnsel vm0, $0xFF800000, v2  }
0x160: {  	v3 =	vld [tilespmem:s28+$0xFFFFFFF0];
	[tilespmem:s28+$0xFFFFFFE0] =	vst v2  }
0x161: {  	v4 =	vld [tilespmem:s29+$0xFFFFFFF0];
	_ =	sdelay $0x3  }
0x162: {  	vm13 =	vlt.f32 v3, $0.0e+00;
	vm14 =	vgt.f32 v3, $0.0e+00  }
0x163: {  	vm0 =	vmor vm14, vm13;
	vm15 =	vne.s32 v4, $0x0  }
0x164: {  	vm0 =	vmand vm0, vm15  }
0x165: {  	v3 =	vnsel vm0, $0xFF800000, v3  }
0x166: {  	v59 =	vld [tilespmem:s28+$0x0];
	[tilespmem:s28+$0xFFFFFFF0] =	vst v3  }
0x167: {  	v5 =	vld [tilespmem:s29+$0x0];
	_ =	sdelay $0x3  }
0x168: {  	vm4 =	vlt.f32 v59, $0.0e+00;
	vm5 =	vgt.f32 v59, $0.0e+00  }
0x169: {  	vm0 =	vmor vm5, vm4;
	vm6 =	vne.s32 v5, $0x0  }
0x16a: {  	vm0 =	vmand vm0, vm6  }
0x16b: {  	v4 =	vnsel vm0, $0xFF800000, v59  }
0x16c: {  	v60 =	vld [tilespmem:s28+$0x10];
	[tilespmem:s28+$0x0] =	vst v4  }
0x16d: {  	v6 =	vld [tilespmem:s29+$0x10];
	_ =	sdelay $0x3  }
0x16e: {  	vm7 =	vlt.f32 v60, $0.0e+00;
	vm8 =	vgt.f32 v60, $0.0e+00  }
0x16f: {  	vm0 =	vmor vm8, vm7;
	vm9 =	vne.s32 v6, $0x0  }
0x170: {  	vm0 =	vmand vm0, vm9  }
0x171: {  	v5 =	vnsel vm0, $0xFF800000, v60  }
0x172: {  	v61 =	vld [tilespmem:s28+$0x20];
	[tilespmem:s28+$0x10] =	vst v5  }
0x173: {  	v7 =	vld [tilespmem:s29+$0x20];
	_ =	sdelay $0x3  }
0x174: {  	vm10 =	vlt.f32 v61, $0.0e+00;
	vm11 =	vgt.f32 v61, $0.0e+00  }
0x175: {  	vm0 =	vmor vm11, vm10;
	vm12 =	vne.s32 v7, $0x0  }
0x176: {  	vm0 =	vmand vm0, vm12  }
0x177: {  	v6 =	vnsel vm0, $0xFF800000, v61  }
0x178: {  	v62 =	vld [tilespmem:s28+$0x30];
	[tilespmem:s28+$0x20] =	vst v6  }
0x179: {  	v8 =	vimm.f32 $-Inf;
	v9 =	vld [tilespmem:s29+$0x30]  }
0x17a: {  	v0 =	vmax.f32 v8, v0  }
0x17b: {  	v0 =	vmax.f32 v0, v1  }
0x17c: {  	v0 =	vmax.f32 v0, v2  }
0x17d: {  	vm13 =	vlt.f32 v62, $0.0e+00;
	vm14 =	vgt.f32 v62, $0.0e+00;
	v0 =	vmax.f32 v0, v3  }
0x17e: {  	v0 =	vmax.f32 v0, v4;
	vm0 =	vmor vm14, vm13;
	vm15 =	vne.s32 v9, $0x0  }
0x17f: {  	v0 =	vmax.f32 v0, v5;
	vm0 =	vmand vm0, vm15  }
0x180: {  	s2 =	simm.s32 $0x0;
	s0 =	sadd.s32 $0x400, s28;
	s30 =	smov.u32 s28;
	v1 =	vmax.f32 v0, v6;
	v0 =	vnsel vm0, $0xFF800000, v62  }
.LBB2_12:
0x181: {  	v2 =	vld [tilespmem:s0+$0xFFFFFFC0];
	s2 =	sadd.s32 $0x8, s2;
	[tilespmem:s30+$0x30] =	vst v0;
	v0 =	vmax.f32 v1, v0;
	s29 =	sadd.s32 $0x400, s29;
	s30 =	smov.u32 s0  }
0x182: {  	v1 =	vld [tilespmem:s29+$0xFFFFFFC0];
	p0 =	slt.u32 s2, $0x78;
	_ =	sdelay $0x3  }
0x183: {  	vm0 =	vlt.f32 v2, $0.0e+00;
	vm1 =	vgt.f32 v2, $0.0e+00  }
0x184: {  	vm2 =	vne.s32 v1, $0x0;
	vm0 =	vmor vm1, vm0  }
0x185: {  	vm0 =	vmand vm0, vm2  }
0x186: {  	v1 =	vnsel vm0, $0xFF800000, v2  }
0x187: {  	[tilespmem:s0+$0xFFFFFFC0] =	vst v1;
	v0 =	vmax.f32 v0, v1;
	v1 =	vld [tilespmem:s0+$0xFFFFFFD0]  }
0x188: {  	v2 =	vld [tilespmem:s29+$0xFFFFFFD0];
	_ =	sdelay $0x3  }
0x189: {  	vm0 =	vlt.f32 v1, $0.0e+00;
	vm1 =	vgt.f32 v1, $0.0e+00  }
0x18a: {  	vm2 =	vne.s32 v2, $0x0;
	vm0 =	vmor vm1, vm0  }
0x18b: {  	vm0 =	vmand vm0, vm2  }
0x18c: {  	v1 =	vnsel vm0, $0xFF800000, v1  }
0x18d: {  	[tilespmem:s0+$0xFFFFFFD0] =	vst v1;
	v0 =	vmax.f32 v0, v1;
	v1 =	vld [tilespmem:s0+$0xFFFFFFE0]  }
0x18e: {  	v2 =	vld [tilespmem:s29+$0xFFFFFFE0];
	_ =	sdelay $0x3  }
0x18f: {  	vm0 =	vlt.f32 v1, $0.0e+00;
	vm1 =	vgt.f32 v1, $0.0e+00  }
0x190: {  	vm2 =	vne.s32 v2, $0x0;
	vm0 =	vmor vm1, vm0  }
0x191: {  	vm0 =	vmand vm0, vm2  }
0x192: {  	v1 =	vnsel vm0, $0xFF800000, v1  }
0x193: {  	[tilespmem:s0+$0xFFFFFFE0] =	vst v1;
	v0 =	vmax.f32 v0, v1;
	v1 =	vld [tilespmem:s0+$0xFFFFFFF0]  }
0x194: {  	v2 =	vld [tilespmem:s29+$0xFFFFFFF0];
	_ =	sdelay $0x3  }
0x195: {  	vm0 =	vlt.f32 v1, $0.0e+00;
	vm1 =	vgt.f32 v1, $0.0e+00  }
0x196: {  	vm2 =	vne.s32 v2, $0x0;
	vm0 =	vmor vm1, vm0  }
0x197: {  	vm0 =	vmand vm0, vm2  }
0x198: {  	v1 =	vnsel vm0, $0xFF800000, v1  }
0x199: {  	[tilespmem:s0+$0xFFFFFFF0] =	vst v1;
	v0 =	vmax.f32 v0, v1;
	v1 =	vld [tilespmem:s0+$0x0]  }
0x19a: {  	v2 =	vld [tilespmem:s29+$0x0];
	_ =	sdelay $0x3  }
0x19b: {  	vm0 =	vlt.f32 v1, $0.0e+00;
	vm1 =	vgt.f32 v1, $0.0e+00  }
0x19c: {  	vm2 =	vne.s32 v2, $0x0;
	vm0 =	vmor vm1, vm0  }
0x19d: {  	vm0 =	vmand vm0, vm2  }
0x19e: {  	v1 =	vnsel vm0, $0xFF800000, v1  }
0x19f: {  	[tilespmem:s0+$0x0] =	vst v1;
	v0 =	vmax.f32 v0, v1;
	v1 =	vld [tilespmem:s0+$0x10]  }
0x1a0: {  	v2 =	vld [tilespmem:s29+$0x10];
	_ =	sdelay $0x3  }
0x1a1: {  	vm0 =	vlt.f32 v1, $0.0e+00;
	vm1 =	vgt.f32 v1, $0.0e+00  }
0x1a2: {  	vm2 =	vne.s32 v2, $0x0;
	vm0 =	vmor vm1, vm0  }
0x1a3: {  	vm0 =	vmand vm0, vm2  }
0x1a4: {  	v1 =	vnsel vm0, $0xFF800000, v1  }
0x1a5: {  	[tilespmem:s0+$0x10] =	vst v1;
	v0 =	vmax.f32 v0, v1;
	v1 =	vld [tilespmem:s0+$0x20]  }
0x1a6: {  	v2 =	vld [tilespmem:s29+$0x20];
	_ =	sdelay $0x3  }
0x1a7: {  	vm0 =	vlt.f32 v1, $0.0e+00;
	vm1 =	vgt.f32 v1, $0.0e+00  }
0x1a8: {  	vm2 =	vne.s32 v2, $0x0;
	vm0 =	vmor vm1, vm0  }
0x1a9: {  	vm0 =	vmand vm0, vm2  }
0x1aa: {  	v1 =	vnsel vm0, $0xFF800000, v1  }
0x1ab: {  	[tilespmem:s0+$0x20] =	vst v1;
	v1 =	vmax.f32 v0, v1;
	v0 =	vld [tilespmem:s0+$0x30]  }
0x1ac: {  	v2 =	vld [tilespmem:s29+$0x30];
	_ =	sdelay $0x2  }
.Ltmp4:
0x1ad: {  	(pc) =	sbr.rel @p0 .LBB2_12-.Ltmp4, $4  }
0x1ae: {  	vm0 =	vlt.f32 v0, $0.0e+00;
	vm1 =	vgt.f32 v0, $0.0e+00  }
0x1af: {  	vm2 =	vne.s32 v2, $0x0;
	vm0 =	vmor vm1, vm0  }
0x1b0: {  	vm0 =	vmand vm0, vm2  }
0x1b1: {  	s0 =	sadd.s32 $0x400, s0;
	v0 =	vnsel vm0, $0xFF800000, v0  }
0x1b2: {  	v1 =	vmax.f32 v1, v0  }
0x1b3: {  	(v2sf) =	vpush v1, $0x0  }
0x1b4: {  	(v2sf) =	vpush v1, $0x1  }
0x1b5: {  	(v2sf) =	vpush v1, $0x2  }
0x1b6: {  	(v2sf) =	vpush v1, $0x3  }
0x1b7: {  	(v2sf) =	vpush v1, $0x4  }
0x1b8: {  	(v2sf) =	vpush v1, $0x5  }
0x1b9: {  	(v2sf) =	vpush v1, $0x6  }
0x1ba: {  	(v2sf) =	vpush v1, $0x7  }
0x1bb: {  	(v2sf) =	vpush v1, $0x8  }
0x1bc: {  	(v2sf) =	vpush v1, $0x9  }
0x1bd: {  	(v2sf) =	vpush v1, $0xA  }
0x1be: {  	(v2sf) =	vpush v1, $0xB  }
0x1bf: {  	(v2sf) =	vpush v1, $0xC  }
0x1c0: {  	(v2sf) =	vpush v1, $0xD  }
0x1c1: {  	(v2sf) =	vpush v1, $0xE  }
0x1c2: {  	s0 =	spop (v2sf);
	(v2sf) =	vpush v1, $0xF  }
0x1c3: {  	s2 =	spop (v2sf)  }
0x1c4: {  	s0 =	smax.f32 s0, s2;
	s31 =	spop (v2sf)  }
0x1c5: {  	s0 =	smax.f32 s0, s31;
	s31 =	spop (v2sf)  }
0x1c6: {  	s0 =	smax.f32 s0, s31;
	s31 =	spop (v2sf)  }
0x1c7: {  	s0 =	smax.f32 s0, s31;
	s31 =	spop (v2sf)  }
0x1c8: {  	s0 =	smax.f32 s0, s31;
	s31 =	spop (v2sf)  }
0x1c9: {  	s0 =	smax.f32 s0, s31;
	s31 =	spop (v2sf)  }
0x1ca: {  	s0 =	smax.f32 s0, s31;
	s31 =	spop (v2sf)  }
0x1cb: {  	s0 =	smax.f32 s0, s31;
	s31 =	spop (v2sf)  }
0x1cc: {  	s0 =	smax.f32 s0, s31;
	s31 =	spop (v2sf)  }
0x1cd: {  	s0 =	smax.f32 s0, s31;
	s31 =	spop (v2sf)  }
0x1ce: {  	s0 =	smax.f32 s0, s31;
	s31 =	spop (v2sf)  }
0x1cf: {  	s0 =	smax.f32 s0, s31;
	s31 =	spop (v2sf)  }
0x1d0: {  	s0 =	smax.f32 s0, s31;
	s31 =	spop (v2sf)  }
0x1d1: {  	[tilespmem:s30+$0x30] =	vst v0;
	s0 =	smax.f32 s0, s31;
	s31 =	spop (v2sf)  }
0x1d2: {  	v1 =	vld [tilespmem:s28+$0xFFFFFFC0];
	s0 =	smax.f32 s0, s31  }
0x1d3: {  	p0 =	seq.f32 s0, $-Inf  }
0x1d4: {  	v2 =	vld [tilespmem:s28+$0xFFFFFFD0]  }
0x1d5: {  	s0 =	simm.s32 @p0 $0x0  }
0x1d6: {  	v3 =	vld [tilespmem:s28+$0xFFFFFFE0];
	v0 =	vmov s0  }
0x1d7: {  	v1 =	vsub.f32 v1, v0  }
0x1d8: {  	v4 =	vld [tilespmem:s28+$0xFFFFFFF0]  }
0x1d9: {  	v5 =	vld [tilespmem:s28+$0x0];
	v2 =	vsub.f32 v2, v0;
	v1 =	vmul.f32 $1.442695020e+00, v1;
	_ =	sdelay $0x1  }
0x1da: {  	v2 =	vmul.f32 $1.442695020e+00, v2;
	(erf) = vpow2.f32 v1;
	v1 =	vsub.f32 v3, v0  }
0x1db: {  	v3 =	vld [tilespmem:s28+$0x10]  }
0x1dc: {  	v4 =	vsub.f32 v4, v0;
	(erf) = vpow2.f32 v2;
	v2 =	vld [tilespmem:s28+$0x20];
	v1 =	vmul.f32 $1.442695020e+00, v1  }
0x1dd: {  	v5 =	vsub.f32 v5, v0  }
0x1de: {  	v4 =	vmul.f32 $1.442695020e+00, v4;
	(erf) = vpow2.f32 v1  }
0x1df: {  	v1 =	vmul.f32 $1.442695020e+00, v5  }
0x1e0: {  	v5 =	vld [tilespmem:s28+$0x30];
	v3 =	vsub.f32 v3, v0;
	(erf) = vpow2.f32 v4  }
0x1e1: {  	v2 =	vsub.f32 v2, v0  }
0x1e2: {  	v4 =	vimm.f32 $0.0e+00;
	(erf) = vpow2.f32 v1;
	v3 =	vmul.f32 $1.442695020e+00, v3  }
0x1e3: {  	v2 =	vmul.f32 $1.442695020e+00, v2;
	v1 =	vpop (erf)  }
0x1e4: {  	s29 =	sadd.s32 $0x400, s28;
	(erf) = vpow2.f32 v3;
	[tilespmem:s28+$0xFFFFFFC0] =	vst v1;
	v1 =	vadd.f32 v1, v4  }
0x1e5: {  	v5 =	vsub.f32 v5, v0;
	v4 =	vpop (erf);
	(erf) = vpow2.f32 v2;
	v3 =	vld [tilespmem:s29+$0xFFFFFFC0]  }
0x1e6: {  	[tilespmem:s28+$0xFFFFFFD0] =	vst v4;
	v1 =	vadd.f32 v4, v1  }
0x1e7: {  	v5 =	vmul.f32 $1.442695020e+00, v5;
	v2 =	vld [tilespmem:s29+$0xFFFFFFD0];
	v4 =	vpop (erf)  }
0x1e8: {  	v1 =	vadd.f32 v4, v1  }
0x1e9: {  	(erf) = vpow2.f32 v5;
	[tilespmem:s28+$0xFFFFFFE0] =	vst v4;
	v4 =	vpop (erf)  }
0x1ea: {  	v6 =	vld [tilespmem:s29+$0xFFFFFFE0];
	[tilespmem:s28+$0xFFFFFFF0] =	vst v4;
	v4 =	vadd.f32 v4, v1;
	v3 =	vsub.f32 v3, v0  }
0x1eb: {  	v8 =	vpop (erf);
	v7 =	vld [tilespmem:s29+$0xFFFFFFF0]  }
0x1ec: {  	[tilespmem:s28+$0x0] =	vst v8;
	v2 =	vsub.f32 v2, v0;
	v4 =	vadd.f32 v8, v4;
	v3 =	vmul.f32 $1.442695020e+00, v3  }
0x1ed: {  	v1 =	vld [tilespmem:s29+$0x0];
	v8 =	vpop (erf)  }
0x1ee: {  	[tilespmem:s28+$0x10] =	vst v8;
	v9 =	vmul.f32 $1.442695020e+00, v2;
	v4 =	vadd.f32 v8, v4;
	v8 =	vpop (erf);
	(erf) = vpow2.f32 v3  }
0x1ef: {  	v6 =	vsub.f32 v6, v0;
	v2 =	vld [tilespmem:s29+$0x10]  }
0x1f0: {  	v5 =	vsub.f32 v7, v0;
	[tilespmem:s28+$0x20] =	vst v8;
	(erf) = vpow2.f32 v9  }
0x1f1: {  	s2 =	smov.u32 s28;
	s0 =	simm.s32 $0x8;
	v6 =	vmul.f32 $1.442695020e+00, v6;
	v3 =	vld [tilespmem:s29+$0x20];
	v4 =	vadd.f32 v8, v4  }
.LBB2_14:
0x1f2: {  	s0 =	sadd.s32 $0x8, s0;
	v5 =	vmul.f32 $1.442695020e+00, v5;
	v1 =	vsub.f32 v1, v0;
	v7 =	vpop (erf)  }
0x1f3: {  	p0 =	slt.u32 s0, $0x78;
	(erf) = vpow2.f32 v6;
	[tilespmem:s2+$0x30] =	vst v7;
	v4 =	vadd.f32 v7, v4;
	s2 =	smov.u32 s29  }
0x1f4: {  	v7 =	vmul.f32 $1.442695020e+00, v1;
	v2 =	vsub.f32 v2, v0;
	v6 =	vld [tilespmem:s29+$0x30];
	(erf) = vpow2.f32 v5;
	_ =	sdelay $0x1  }
0x1f5: {  	v2 =	vmul.f32 $1.442695020e+00, v2;
	v3 =	vsub.f32 v3, v0;
	(erf) = vpow2.f32 v7  }
0x1f6: {  	v1 =	vpop (erf)  }
0x1f7: {  	s29 =	sadd.s32 $0x400, s29;
	[tilespmem:s2+$0xFFFFFFC0] =	vst v1;
	v1 =	vadd.f32 v1, v4;
	v3 =	vmul.f32 $1.442695020e+00, v3;
	(erf) = vpow2.f32 v2  }
0x1f8: {  	v2 =	vld [tilespmem:s29+$0xFFFFFFC0];
	v4 =	vsub.f32 v6, v0;
	v5 =	vpop (erf)  }
0x1f9: {  	[tilespmem:s2+$0xFFFFFFD0] =	vst v5;
	v1 =	vadd.f32 v5, v1;
	(erf) = vpow2.f32 v3  }
0x1fa: {  	v3 =	vld [tilespmem:s29+$0xFFFFFFD0];
	v4 =	vmul.f32 $1.442695020e+00, v4  }
0x1fb: {  	v5 =	vpop (erf)  }
0x1fc: {  	[tilespmem:s2+$0xFFFFFFE0] =	vst v5;
	v1 =	vadd.f32 v5, v1;
	v5 =	vpop (erf);
	(erf) = vpow2.f32 v4  }
0x1fd: {  	v2 =	vsub.f32 v2, v0;
	v4 =	vld [tilespmem:s29+$0xFFFFFFE0];
	[tilespmem:s2+$0xFFFFFFF0] =	vst v5  }
0x1fe: {  	v6 =	vld [tilespmem:s29+$0xFFFFFFF0];
	v5 =	vadd.f32 v5, v1;
	v7 =	vpop (erf)  }
0x1ff: {  	v2 =	vmul.f32 $1.442695020e+00, v2;
	v3 =	vsub.f32 v3, v0;
	[tilespmem:s2+$0x0] =	vst v7  }
.Ltmp5:
0x200: {  	v1 =	vld [tilespmem:s29+$0x0];
	v5 =	vadd.f32 v7, v5;
	v7 =	vpop (erf);
	(pc) =	sbr.rel @p0 .LBB2_14-.Ltmp5, $4  }
0x201: {  	v3 =	vmul.f32 $1.442695020e+00, v3;
	(erf) = vpow2.f32 v2;
	[tilespmem:s2+$0x10] =	vst v7  }
0x202: {  	v4 =	vsub.f32 v4, v0;
	v2 =	vld [tilespmem:s29+$0x10];
	v7 =	vadd.f32 v7, v5;
	v8 =	vpop (erf)  }
0x203: {  	v5 =	vsub.f32 v6, v0;
	(erf) = vpow2.f32 v3;
	[tilespmem:s2+$0x20] =	vst v8  }
0x204: {  	v6 =	vmul.f32 $1.442695020e+00, v4;
	v3 =	vld [tilespmem:s29+$0x20];
	v4 =	vadd.f32 v8, v7  }
0x205: {  	v7 =	vpop (erf)  }
0x206: {  	v1 =	vsub.f32 v1, v0;
	[tilespmem:s2+$0x30] =	vst v7  }
0x207: {  	v5 =	vmul.f32 $1.442695020e+00, v5;
	(erf) = vpow2.f32 v6;
	v6 =	vld [tilespmem:s29+$0x30]  }
0x208: {  	v1 =	vmul.f32 $1.442695020e+00, v1;
	v2 =	vsub.f32 v2, v0  }
0x209: {  	(erf) = vpow2.f32 v5  }
0x20a: {  	v2 =	vmul.f32 $1.442695020e+00, v2;
	v3 =	vsub.f32 v3, v0  }
0x20b: {  	v4 =	vadd.f32 v7, v4;
	(erf) = vpow2.f32 v1  }
0x20c: {  	v1 =	vpop (erf);
	v3 =	vmul.f32 $1.442695020e+00, v3;
	v0 =	vsub.f32 v6, v0  }
0x20d: {  	(erf) = vpow2.f32 v2;
	v4 =	vadd.f32 v1, v4  }
0x20e: {  	v2 =	vpop (erf);
	v0 =	vmul.f32 $1.442695020e+00, v0  }
0x20f: {  	(erf) = vpow2.f32 v3;
	v4 =	vadd.f32 v2, v4  }
0x210: {  	v3 =	vpop (erf)  }
0x211: {  	v4 =	vadd.f32 v3, v4;
	(erf) = vpow2.f32 v0  }
0x212: {  	v0 =	vpop (erf)  }
0x213: {  	v4 =	vadd.f32 v0, v4  }
0x214: {  	v5 =	vpop (erf)  }
0x215: {  	v4 =	vadd.f32 v5, v4  }
0x216: {  	v6 =	vpop (erf)  }
0x217: {  	v4 =	vadd.f32 v6, v4  }
0x218: {  	v7 =	vpop (erf)  }
0x219: {  	v4 =	vadd.f32 v7, v4  }
0x21a: {  	v8 =	vpop (erf)  }
0x21b: {  	v4 =	vadd.f32 v8, v4;
	_ =	sdelay $0x1  }
0x21c: {  	(v2sf) =	vpush v4, $0x0  }
0x21d: {  	(v2sf) =	vpush v4, $0x1;
	_ =	sdelay $0x1  }
0x21e: {  	(v2sf) =	vpush v4, $0x2;
	_ =	sdelay $0x1  }
0x21f: {  	(v2sf) =	vpush v4, $0x3;
	_ =	sdelay $0x1  }
0x220: {  	(v2sf) =	vpush v4, $0x4;
	_ =	sdelay $0x1  }
0x221: {  	(v2sf) =	vpush v4, $0x5;
	_ =	sdelay $0x1  }
0x222: {  	(v2sf) =	vpush v4, $0x6;
	_ =	sdelay $0x1  }
0x223: {  	(v2sf) =	vpush v4, $0x7;
	_ =	sdelay $0x1  }
0x224: {  	s0 =	spop (v2sf);
	(v2sf) =	vpush v4, $0x8  }
0x225: {  	s31 =	spop (v2sf)  }
0x226: {  	(v2sf) =	vpush v4, $0x9;
	s0 =	sadd.f32 s31, s0  }
0x227: {  	s30 =	spop (v2sf)  }
0x228: {  	(v2sf) =	vpush v4, $0xA;
	s0 =	sadd.f32 s0, s30  }
0x229: {  	s31 =	spop (v2sf)  }
0x22a: {  	(v2sf) =	vpush v4, $0xB;
	s0 =	sadd.f32 s0, s31  }
0x22b: {  	s30 =	spop (v2sf)  }
0x22c: {  	(v2sf) =	vpush v4, $0xC;
	s0 =	sadd.f32 s0, s30  }
0x22d: {  	s31 =	spop (v2sf)  }
0x22e: {  	(v2sf) =	vpush v4, $0xD;
	s0 =	sadd.f32 s0, s31  }
0x22f: {  	s30 =	spop (v2sf)  }
0x230: {  	(v2sf) =	vpush v4, $0xE;
	s0 =	sadd.f32 s0, s30  }
0x231: {  	s31 =	spop (v2sf)  }
0x232: {  	(v2sf) =	vpush v4, $0xF;
	s0 =	sadd.f32 s0, s31  }
0x233: {  	s30 =	spop (v2sf)  }
0x234: {  	s0 =	sadd.f32 s0, s30  }
0x235: {  	s31 =	spop (v2sf)  }
0x236: {  	s0 =	sadd.f32 s0, s31  }
0x237: {  	s30 =	spop (v2sf)  }
0x238: {  	s0 =	sadd.f32 s0, s30  }
0x239: {  	s31 =	spop (v2sf)  }
0x23a: {  	s0 =	sadd.f32 s0, s31  }
0x23b: {  	s30 =	spop (v2sf)  }
0x23c: {  	s0 =	sadd.f32 s0, s30  }
0x23d: {  	s31 =	spop (v2sf)  }
0x23e: {  	s0 =	sadd.f32 s0, s31  }
0x23f: {  	s30 =	spop (v2sf)  }
0x240: {  	s0 =	sadd.f32 s0, s30  }
0x241: {  	s31 =	spop (v2sf)  }
0x242: {  	s0 =	sadd.f32 s0, s31;
	_ =	sdelay $0x1  }
0x243: {  	p0 =	seq.f32 s0, $0.0e+00  }
0x244: {  	[tilespmem:s29+$0xFFFFFFC0] =	vst v1  }
0x245: {  	[tilespmem:s29+$0xFFFFFFD0] =	vst v2;
	s0 =	simm.s32 @p0 $0x3F800000  }
0x246: {  	[tilespmem:s29+$0xFFFFFFE0] =	vst v3;
	v1 =	vmov s0  }
0x247: {  	[tilespmem:s29+$0xFFFFFFF0] =	vst v0;
	(erf) = vrcp.f32 v1  }
0x248: {  	[tilespmem:s29+$0x0] =	vst v5  }
0x249: {  	[tilespmem:s29+$0x10] =	vst v6  }
0x24a: {  	[tilespmem:s29+$0x20] =	vst v7  }
0x24b: {  	[tilespmem:s29+$0x30] =	vst v8  }
0x24c: {  	v2 =	vld [tilespmem:s28+$0xFFFFFFC0];
	_ =	sdelay $0x1  }
0x24d: {  	v5 =	vld [tilespmem:s28+$0xFFFFFFD0]  }
0x24e: {  	v7 =	vld [tilespmem:s28+$0xFFFFFFE0]  }
0x24f: {  	v3 =	vld [tilespmem:s28+$0x0];
	v0 =	vpop (erf)  }
0x250: {  	v1 =	vld [tilespmem:s28+$0x10];
	v6 =	vmul.f32 v2, v0  }
0x251: {  	v4 =	vld [tilespmem:s28+$0x20]  }
0x252: {  	v2 =	vld [tilespmem:s28+$0x30];
	[tilespmem:s28+$0xFFFFFFC0] =	vst v6;
	v6 =	vmul.f32 v5, v0  }
0x253: {  	s2 =	sadd.s32 $0x400, s28;
	s0 =	simm.s32 $0x0;
	v7 =	vmul.f32 v7, v0;
	v5 =	vld [tilespmem:s28+$0xFFFFFFF0]  }
.LBB2_16:
0x254: {  	v8 =	vld [tilespmem:s2+$0xFFFFFFC0];
	[tilespmem:s28+$0xFFFFFFD0] =	vst v6;
	v3 =	vmul.f32 v3, v0  }
0x255: {  	s0 =	sadd.s32 $0x8, s0;
	v6 =	vld [tilespmem:s2+$0xFFFFFFD0];
	[tilespmem:s28+$0xFFFFFFE0] =	vst v7;
	v1 =	vmul.f32 v1, v0  }
0x256: {  	p0 =	slt.u32 s0, $0x78;
	v7 =	vld [tilespmem:s2+$0xFFFFFFE0];
	[tilespmem:s28+$0x0] =	vst v3;
	v4 =	vmul.f32 v4, v0  }
.Ltmp6:
0x257: {  	v3 =	vld [tilespmem:s2+$0x0];
	[tilespmem:s28+$0x10] =	vst v1;
	v2 =	vmul.f32 v2, v0;
	(pc) =	sbr.rel @p0 .LBB2_16-.Ltmp6, $4  }
0x258: {  	v1 =	vld [tilespmem:s2+$0x10];
	v5 =	vmul.f32 v5, v0;
	[tilespmem:s28+$0x20] =	vst v4  }
0x259: {  	v8 =	vmul.f32 v8, v0;
	v4 =	vld [tilespmem:s2+$0x20];
	[tilespmem:s28+$0x30] =	vst v2  }
0x25a: {  	v6 =	vmul.f32 v6, v0;
	v2 =	vld [tilespmem:s2+$0x30];
	[tilespmem:s28+$0xFFFFFFF0] =	vst v5;
	s28 =	smov.u32 s2  }
0x25b: {  	s2 =	sadd.s32 $0x400, s2;
	[tilespmem:s28+$0xFFFFFFC0] =	vst v8;
	v7 =	vmul.f32 v7, v0;
	v5 =	vld [tilespmem:s28+$0xFFFFFFF0]  }
0x25c: {  	[tilespmem:s28+$0xFFFFFFD0] =	vst v6;
	v3 =	vmul.f32 v3, v0;
	s26 =	sadd.s32 $0x1, s26  }
0x25d: {  	[tilespmem:s28+$0xFFFFFFE0] =	vst v7;
	v1 =	vmul.f32 v1, v0;
	p0 =	sne.s32 s26, $0x10  }
.Ltmp7:
0x25e: {  	[tilespmem:s28+$0x0] =	vst v3;
	v60 =	vmul.f32 v4, v0;
	(pc) =	sbr.rel @p0 .LBB2_11-.Ltmp7, $4  }
0x25f: {  	[tilespmem:s28+$0x10] =	vst v1;
	v61 =	vmul.f32 v2, v0  }
0x260: {  	v62 =	vmul.f32 v5, v0;
	[tilespmem:s28+$0x20] =	vst v60  }
0x261: {  	[tilespmem:s28+$0x30] =	vst v61  }
0x262: {  	s25 =	sadd.s32 $0x800, s25;
	s24 =	sadd.s32 $0x1, s24;
	[tilespmem:s28+$0xFFFFFFF0] =	vst v62  }
0x263: {  	s22 =	sadd.s32 $0x1, s22  }
0x264: {  	p0 =	sne.s32 s22, $0x18  }
.Ltmp8:
0x265: {  	_ = 	snop;
	(pc) =	sbr.rel @p0 .LBB2_2-.Ltmp8, $3  }
0x266: {  	_ =	sdelay $0x1  }
0x267: {  	s0 =	sadd.s32 s4, s23  }
0x268: {  	[hbm4b:s0+s5] =	stream.linear.scatter [tilespmem:s13], [sflag:$0x6], $0x8000, $0x38;
	v63 =	vld [tilespmem:$0x0]  }
0x269: {  	s21 =	sadd.s32 $0x1, s21  }
0x26a: {  	_ =	swait.ge [sflag:s19], $0x8000;
	p0 =	sne.s32 s21, s10  }
.Ltmp9:
0x26b: {  	[sflag:s19] =	ssyncset.done $0x0;
	(pc) =	sbr.rel @p0 .LBB2_1-.Ltmp9, $4  }
0x26c: {  	[sflag:s19] =	ssyncadd.s32 $0xFFFF8000  }
0x26d: {  	_ =	swait.ge [sflag:s20], $0x8000  }
0x26e: {  	[sflag:s20] =	ssyncset.done $0x0  }
0x26f: {  	[sflag:s20] =	ssyncadd.s32 $0xFFFF8000  }
0x270: {  	_ =	sfence.sel $0x180000  }
0x271: {  	[bflag:$0x0] =	sbarrier.arrive $0xFFFF  }
0x272: {  	_ =	strace $0x90000047  }
0x273: {  	s0 =	stileid.u32;
	[bflag:$0x2] =	sbarrier.arrive $0xFFFF  }
0x274: {  	p0 =	sne.s32 s0, $0x0;
	s0 =	rddreg [dreg:$0x3]  }
0x275: {  	s0 =	sadd.s32 @!p0 $0x100000, s0  }
0x276: {  	[sflag:s0] =	ssyncadd.tile.s32 @!p0 $0x1;
	_ =	shalt  }
.Lfunc_end2:
_tile_overlayer_lowered:
.L_overlay_start_2:
0x277: {  	(tag) =	ssettag $0x2  }
0x278: {  	s0 =	rddreg [dreg:$0x0];
	s2 =	stileid.u32  }
0x279: {  	s1 =	rddreg [dreg:$0x1];
	p0 =	sne.s32 s2, $0x0  }
0x27a: {  	s3 =	rddreg [dreg:$0x2];
	[bflag:$0x3] =	sbarrier.arrive $0xFFFF;
	s2 =	simm.s32 @!p0 $0x1C07  }
0x27b: {  	[timem:s3], [sflag:s2] =	dma.local @!p0 [hbm:s0], s1  }
0x27c: {  	s0 =	simm.s32 @!p0 $0x7  }
0x27d: {  	_ =	swait.ge @!p0 [sflag:s0], s1  }
0x27e: {  	s1 =	ssub.s32 @!p0 $0x0, s1;
	[sflag:s0] =	ssyncset.done @!p0 $0x0  }
0x27f: {  	[sflag:s0] =	ssyncadd.s32 @!p0 s1  }
0x280: {  	[bflag:$0x3] =	sbarrier.arrive $0xFFFF  }
0x281: {  	_ =	shalt  }

</sc_bundles>
